<compile_context>
chip_gen: v7x
topology: tpu7x:2x2x1
jax: 0.10.2.dev20260603
libtpu: 0.0.44.dev20260713+nightly
codegen_flags: <defaults>
</compile_context>

<pallas_src>
import functools

import jax
import jax.numpy as jnp
from jax import lax
from jax.experimental import pallas as pl
from jax.experimental.pallas import tpu as pltpu
from jax.experimental.pallas import tpu_sc as plsc


def kernel(node_indices, embeddings):
  B, = node_indices.shape
  V, D = embeddings.shape
  L = 16
  LANES = 128

  info = plsc.get_sparse_core_info()
  NC, NS = info.num_cores, info.num_subcores
  NW = NC * NS
  assert B % NW == 0
  b_per_w = B // NW
  NBUF = 8
  n_chunks = b_per_w // NBUF
  assert b_per_w % NBUF == 0

  mesh = plsc.VectorSubcoreMesh(core_axis_name="c", subcore_axis_name="s")

  @functools.partial(
      pl.kernel,
      out_type=jax.ShapeDtypeStruct((D, B), jnp.float32),
      mesh=mesh,
      compiler_params=pltpu.CompilerParams(
          use_tc_tiling_on_sc=True, needs_layout_passes=False
      ),
      scratch_types=[
          pltpu.VMEM((b_per_w,), jnp.int32),
          pltpu.VMEM((2, NBUF, D, LANES), jnp.float32),
          pltpu.VMEM((D, b_per_w), jnp.float32),
          pltpu.SemaphoreType.DMA,
      ],
  )
  def gather_kernel(idx_hbm, table_hbm, out_hbm, idx_v, stage_v, cols_v, sem):
    wid = lax.axis_index("s") * NC + lax.axis_index("c")
    base = wid * b_per_w
    pltpu.sync_copy(idx_hbm.at[pl.ds(base, b_per_w)], idx_v)

    jlo = lax.iota(jnp.int32, L)
    jhi = jlo + L

    def chunk_idx(k):
      idx16 = idx_v[pl.ds((k >> 1) * (2 * NBUF), 2 * NBUF)]
      odd = k & 1
      return [
          jnp.where(odd != 0, idx16[NBUF + s], idx16[s]) for s in range(NBUF)
      ]

    def fire(k, half):
      cs = chunk_idx(k)
      for s in range(NBUF):
        c = cs[s]
        g = pl.multiple_of((c >> 7) << 7, LANES)
        pltpu.async_copy(
            table_hbm.at[:, pl.ds(g, LANES)], stage_v.at[half, s], sem
        )

    def drain_and_extract(k, half):
      col0 = k * NBUF
      cs = chunk_idx(k)
      for s in range(NBUF):
        pltpu.make_async_copy(
            table_hbm.at[:, pl.ds(0, LANES)], stage_v.at[half, s], sem
        ).wait()
        lane = cs[s] & (LANES - 1)
        lane_b = jnp.full((L,), lane, jnp.int32)
        half_b = jnp.full((L,), half, jnp.int32)
        slot_b = jnp.full((L,), s, jnp.int32)
        col_b = jnp.full((L,), col0 + s, jnp.int32)
        v0 = plsc.load_gather(stage_v, [half_b, slot_b, jlo, lane_b])
        v1 = plsc.load_gather(stage_v, [half_b, slot_b, jhi, lane_b])
        plsc.store_scatter(cols_v, [jlo, col_b], v0)
        plsc.store_scatter(cols_v, [jhi, col_b], v1)

    fire(0, 0)

    def chunk_body(k, carry):
      half = lax.rem(k, 2)
      @pl.when(k + 1 < n_chunks)
      def _():
        fire(k + 1, 1 - half)
      drain_and_extract(k, half)
      return carry

    lax.fori_loop(0, n_chunks, chunk_body, 0)

    pltpu.sync_copy(cols_v, out_hbm.at[:, pl.ds(base, b_per_w)])

  out_t = gather_kernel(node_indices.astype(jnp.int32), embeddings.T)
  return out_t.T

# --- scband reference (transcript-rebuilt; emitter-appended) ---
"""Pipeline reference for scband-node-embeddings-13108240187526 (READ-ONLY COPY).

The authoritative reference and input builder live on the scoring server;
editing this copy changes nothing except your own understanding.
"""

import jax, jax.numpy as jnp
import numpy as np

NUM_NODES = 1000000
EMBED_DIM = 32
BATCH = 16384
INIT_STD = 0.01

def setup_inputs(seed: int = 0) -> dict:
    key = jax.random.key(seed)
    k_idx, k_emb = jax.random.split(key)
    node_indices = jax.random.randint(k_idx, (BATCH,), 0, NUM_NODES, dtype=jnp.int64 if jax.config.jax_enable_x64 else jnp.int32)
    embeddings = INIT_STD * jax.random.normal(k_emb, (NUM_NODES, EMBED_DIM), dtype=jnp.float32)
    return {"node_indices": node_indices, "embeddings": embeddings}

def reference(node_indices, embeddings):
    # NodeEmbeddings.forward: gather rows of the learned embedding table
    return jnp.take(embeddings, node_indices, axis=0)

if __name__ == "__main__":
    import jax
    _d = setup_inputs()
    print(jax.jit(kernel)(*tuple(_d.values())))

</pallas_src>

<mosaic_0001>
#map = affine_map<(d0, d1) -> (0)>
#map1 = affine_map<(d0, d1) -> (0, 0)>
module attributes {stable_mosaic.version = 14 : i64} {
  func.func @gather_kernel(%arg0: i32, %arg1: i32, %arg2: memref<16384xi32, #tpu.memory_space<hbm>>, %arg3: memref<32x1000000xf32, #tpu.memory_space<hbm>>, %arg4: memref<32x16384xf32, #tpu.memory_space<hbm>>, %arg5: memref<512xi32, #tpu.memory_space<vmem>>, %arg6: memref<2x8x32x128xf32, #tpu.memory_space<vmem>>, %arg7: memref<32x512xf32, #tpu.memory_space<vmem>>, %arg8: memref<!tpu.dma_semaphore, #tpu.memory_space<semaphore_mem>>) attributes {dimension_semantics = [#tpu.dimension_semantics<core_parallel>, #tpu.dimension_semantics<subcore_parallel>], iteration_bounds = array<i64: 2, 16>, scalar_prefetch = 0 : i64, scratch_operands = 4 : i64, tpu.core_type = #tpu.core_type<sc_vector_subcore>, window_params = [{transform_indices = #map}, {transform_indices = #map1}, {transform_indices = #map1}]} {
    %mul3A = arith.constant 2 : i32
    %mul3A_0 = arith.muli %arg1, %mul3A : i32
    %add3A = arith.addi %mul3A_0, %arg0 : i32
    %mul3A_1 = arith.constant 512 : i32
    %mul3A_2 = arith.muli %add3A, %mul3A_1 : i32
    "tpu.region"() ({
      %run_scoped3A = tpu.sem_alloc : memref<!tpu.dma_semaphore, #tpu.memory_space<semaphore_mem>>
      %dma_start3A_204 = tpu.memref_slice %arg2[%mul3A_2] : memref<16384xi32, #tpu.memory_space<hbm>> -> memref<512xi32, #tpu.memory_space<hbm>>
      %dma_start3A_205 = tpu.memref_slice %arg2[%mul3A_2] : memref<16384xi32, #tpu.memory_space<hbm>> -> memref<512xi32, #tpu.memory_space<hbm>>
      tpu.enqueue_dma source(%dma_start3A_205 : memref<512xi32, #tpu.memory_space<hbm>>) target(%arg5 : memref<512xi32, #tpu.memory_space<vmem>>) target_semaphore(%run_scoped3A : memref<!tpu.dma_semaphore, #tpu.memory_space<semaphore_mem>>)
      %dma_wait3A = tpu.memref_slice %arg2[%mul3A_2] : memref<16384xi32, #tpu.memory_space<hbm>> -> memref<512xi32, #tpu.memory_space<hbm>>
      %dma_wait3A_206 = tpu.memref_slice %arg2[%mul3A_2] : memref<16384xi32, #tpu.memory_space<hbm>> -> memref<512xi32, #tpu.memory_space<hbm>>
      tpu.wait_dma2 semaphore(%run_scoped3A : memref<!tpu.dma_semaphore, #tpu.memory_space<semaphore_mem>>) src(%dma_wait3A_206 : memref<512xi32, #tpu.memory_space<hbm>>) dst(%arg5 : memref<512xi32, #tpu.memory_space<vmem>>)
      tpu.yield
    }) : () -> ()
    %iota3A = tpu.iota {dimensions = array<i32: 0>} : vector<16xi32>
    %add3A_3 = arith.constant 16 : i32
    %add3A_4 = vector.broadcast %add3A_3 : i32 to vector<16xi32>
    %add3A_5 = arith.addi %iota3A, %add3A_4 : vector<16xi32>
    %get3A = arith.constant 0 : index
    %get3A_6 = tpu.vector_load %arg5[%get3A] {strides = array<i32>} : memref<512xi32, #tpu.memory_space<vmem>>, vector<16xi32>,
    %slice3A = vector.extract_strided_slice %get3A_6 {offsets = [8], sizes = [1], strides = [1]} : vector<16xi32> to vector<1xi32>
    %squeeze3A = vector.extract %slice3A[0] : i32 from vector<1xi32>
    %slice3A_7 = vector.extract_strided_slice %get3A_6 {offsets = [0], sizes = [1], strides = [1]} : vector<16xi32> to vector<1xi32>
    %squeeze3A_8 = vector.extract %slice3A_7[0] : i32 from vector<1xi32>
    %jit3A = arith.constant false
    %select_n3A = arith.select %jit3A, %squeeze3A, %squeeze3A_8 : i32
    %slice3A_9 = vector.extract_strided_slice %get3A_6 {offsets = [9], sizes = [1], strides = [1]} : vector<16xi32> to vector<1xi32>
    %squeeze3A_10 = vector.extract %slice3A_9[0] : i32 from vector<1xi32>
    %slice3A_11 = vector.extract_strided_slice %get3A_6 {offsets = [1], sizes = [1], strides = [1]} : vector<16xi32> to vector<1xi32>
    %squeeze3A_12 = vector.extract %slice3A_11[0] : i32 from vector<1xi32>
    %jit3A_13 = arith.constant false
    %select_n3A_14 = arith.select %jit3A_13, %squeeze3A_10, %squeeze3A_12 : i32
    %slice3A_15 = vector.extract_strided_slice %get3A_6 {offsets = [10], sizes = [1], strides = [1]} : vector<16xi32> to vector<1xi32>
    %squeeze3A_16 = vector.extract %slice3A_15[0] : i32 from vector<1xi32>
    %slice3A_17 = vector.extract_strided_slice %get3A_6 {offsets = [2], sizes = [1], strides = [1]} : vector<16xi32> to vector<1xi32>
    %squeeze3A_18 = vector.extract %slice3A_17[0] : i32 from vector<1xi32>
    %jit3A_19 = arith.constant false
    %select_n3A_20 = arith.select %jit3A_19, %squeeze3A_16, %squeeze3A_18 : i32
    %slice3A_21 = vector.extract_strided_slice %get3A_6 {offsets = [11], sizes = [1], strides = [1]} : vector<16xi32> to vector<1xi32>
    %squeeze3A_22 = vector.extract %slice3A_21[0] : i32 from vector<1xi32>
    %slice3A_23 = vector.extract_strided_slice %get3A_6 {offsets = [3], sizes = [1], strides = [1]} : vector<16xi32> to vector<1xi32>
    %squeeze3A_24 = vector.extract %slice3A_23[0] : i32 from vector<1xi32>
    %jit3A_25 = arith.constant false
    %select_n3A_26 = arith.select %jit3A_25, %squeeze3A_22, %squeeze3A_24 : i32
    %slice3A_27 = vector.extract_strided_slice %get3A_6 {offsets = [12], sizes = [1], strides = [1]} : vector<16xi32> to vector<1xi32>
    %squeeze3A_28 = vector.extract %slice3A_27[0] : i32 from vector<1xi32>
    %slice3A_29 = vector.extract_strided_slice %get3A_6 {offsets = [4], sizes = [1], strides = [1]} : vector<16xi32> to vector<1xi32>
    %squeeze3A_30 = vector.extract %slice3A_29[0] : i32 from vector<1xi32>
    %jit3A_31 = arith.constant false
    %select_n3A_32 = arith.select %jit3A_31, %squeeze3A_28, %squeeze3A_30 : i32
    %slice3A_33 = vector.extract_strided_slice %get3A_6 {offsets = [13], sizes = [1], strides = [1]} : vector<16xi32> to vector<1xi32>
    %squeeze3A_34 = vector.extract %slice3A_33[0] : i32 from vector<1xi32>
    %slice3A_35 = vector.extract_strided_slice %get3A_6 {offsets = [5], sizes = [1], strides = [1]} : vector<16xi32> to vector<1xi32>
    %squeeze3A_36 = vector.extract %slice3A_35[0] : i32 from vector<1xi32>
    %jit3A_37 = arith.constant false
    %select_n3A_38 = arith.select %jit3A_37, %squeeze3A_34, %squeeze3A_36 : i32
    %slice3A_39 = vector.extract_strided_slice %get3A_6 {offsets = [14], sizes = [1], strides = [1]} : vector<16xi32> to vector<1xi32>
    %squeeze3A_40 = vector.extract %slice3A_39[0] : i32 from vector<1xi32>
    %slice3A_41 = vector.extract_strided_slice %get3A_6 {offsets = [6], sizes = [1], strides = [1]} : vector<16xi32> to vector<1xi32>
    %squeeze3A_42 = vector.extract %slice3A_41[0] : i32 from vector<1xi32>
    %jit3A_43 = arith.constant false
    %select_n3A_44 = arith.select %jit3A_43, %squeeze3A_40, %squeeze3A_42 : i32
    %slice3A_45 = vector.extract_strided_slice %get3A_6 {offsets = [15], sizes = [1], strides = [1]} : vector<16xi32> to vector<1xi32>
    %squeeze3A_46 = vector.extract %slice3A_45[0] : i32 from vector<1xi32>
    %slice3A_47 = vector.extract_strided_slice %get3A_6 {offsets = [7], sizes = [1], strides = [1]} : vector<16xi32> to vector<1xi32>
    %squeeze3A_48 = vector.extract %slice3A_47[0] : i32 from vector<1xi32>
    %jit3A_49 = arith.constant false
    %select_n3A_50 = arith.select %jit3A_49, %squeeze3A_46, %squeeze3A_48 : i32
    %shift_right_arithmetic3A = arith.constant 7 : i32
    %shift_right_arithmetic3A_51 = arith.shrsi %select_n3A, %shift_right_arithmetic3A : i32
    %shift_left3A = arith.constant 7 : i32
    %shift_left3A_52 = arith.shli %shift_right_arithmetic3A_51, %shift_left3A : i32
    %multiple_of3A = tpu.assume_multiple %shift_left3A_52, 128 : i32
    %dma_start3A = arith.constant 0 : i32
    %dma_start3A_53 = arith.constant 0 : i32
    %dma_start3A_54 = arith.constant 0 : i32
    %dma_start3A_55 = arith.constant 0 : i32
    %dma_start3A_56 = tpu.memref_slice %arg6[%dma_start3A, %dma_start3A_53, %dma_start3A_54, %dma_start3A_55] : memref<2x8x32x128xf32, #tpu.memory_space<vmem>> -> memref<1x1x32x128xf32, #tpu.memory_space<vmem>>
    %dma_start3A_57 = tpu.memref_squeeze %dma_start3A_56 : memref<1x1x32x128xf32, #tpu.memory_space<vmem>> -> memref<32x128xf32, #tpu.memory_space<vmem>>
    %dma_start3A_58 = arith.constant 0 : i32
    %dma_start3A_59 = tpu.memref_slice %arg3[%dma_start3A_58, %multiple_of3A] : memref<32x1000000xf32, #tpu.memory_space<hbm>> -> memref<32x128xf32, #tpu.memory_space<hbm>>
    %dma_start3A_60 = arith.constant 0 : i32
    %dma_start3A_61 = arith.constant 0 : i32
    %dma_start3A_62 = tpu.memref_slice %arg6[%dma_start3A, %dma_start3A_53, %dma_start3A_60, %dma_start3A_61] : memref<2x8x32x128xf32, #tpu.memory_space<vmem>> -> memref<1x1x32x128xf32, #tpu.memory_space<vmem>>
    %dma_start3A_63 = tpu.memref_squeeze %dma_start3A_62 : memref<1x1x32x128xf32, #tpu.memory_space<vmem>> -> memref<32x128xf32, #tpu.memory_space<vmem>>
    %dma_start3A_64 = arith.constant 0 : i32
    %dma_start3A_65 = tpu.memref_slice %arg3[%dma_start3A_64, %multiple_of3A] : memref<32x1000000xf32, #tpu.memory_space<hbm>> -> memref<32x128xf32, #tpu.memory_space<hbm>>
    tpu.enqueue_dma source(%dma_start3A_65 : memref<32x128xf32, #tpu.memory_space<hbm>>) target(%dma_start3A_63 : memref<32x128xf32, #tpu.memory_space<vmem>>) target_semaphore(%arg8 : memref<!tpu.dma_semaphore, #tpu.memory_space<semaphore_mem>>)
    %shift_right_arithmetic3A_66 = arith.constant 7 : i32
    %shift_right_arithmetic3A_67 = arith.shrsi %select_n3A_14, %shift_right_arithmetic3A_66 : i32
    %shift_left3A_68 = arith.constant 7 : i32
    %shift_left3A_69 = arith.shli %shift_right_arithmetic3A_67, %shift_left3A_68 : i32
    %multiple_of3A_70 = tpu.assume_multiple %shift_left3A_69, 128 : i32
    %dma_start3A_71 = arith.constant 0 : i32
    %dma_start3A_72 = arith.constant 1 : i32
    %dma_start3A_73 = arith.constant 0 : i32
    %dma_start3A_74 = arith.constant 0 : i32
    %dma_start3A_75 = tpu.memref_slice %arg6[%dma_start3A_71, %dma_start3A_72, %dma_start3A_73, %dma_start3A_74] : memref<2x8x32x128xf32, #tpu.memory_space<vmem>> -> memref<1x1x32x128xf32, #tpu.memory_space<vmem>>
    %dma_start3A_76 = tpu.memref_squeeze %dma_start3A_75 : memref<1x1x32x128xf32, #tpu.memory_space<vmem>> -> memref<32x128xf32, #tpu.memory_space<vmem>>
    %dma_start3A_77 = arith.constant 0 : i32
    %dma_start3A_78 = tpu.memref_slice %arg3[%dma_start3A_77, %multiple_of3A_70] : memref<32x1000000xf32, #tpu.memory_space<hbm>> -> memref<32x128xf32, #tpu.memory_space<hbm>>
    %dma_start3A_79 = arith.constant 0 : i32
    %dma_start3A_80 = arith.constant 0 : i32
    %dma_start3A_81 = tpu.memref_slice %arg6[%dma_start3A_71, %dma_start3A_72, %dma_start3A_79, %dma_start3A_80] : memref<2x8x32x128xf32, #tpu.memory_space<vmem>> -> memref<1x1x32x128xf32, #tpu.memory_space<vmem>>
    %dma_start3A_82 = tpu.memref_squeeze %dma_start3A_81 : memref<1x1x32x128xf32, #tpu.memory_space<vmem>> -> memref<32x128xf32, #tpu.memory_space<vmem>>
    %dma_start3A_83 = arith.constant 0 : i32
    %dma_start3A_84 = tpu.memref_slice %arg3[%dma_start3A_83, %multiple_of3A_70] : memref<32x1000000xf32, #tpu.memory_space<hbm>> -> memref<32x128xf32, #tpu.memory_space<hbm>>
    tpu.enqueue_dma source(%dma_start3A_84 : memref<32x128xf32, #tpu.memory_space<hbm>>) target(%dma_start3A_82 : memref<32x128xf32, #tpu.memory_space<vmem>>) target_semaphore(%arg8 : memref<!tpu.dma_semaphore, #tpu.memory_space<semaphore_mem>>)
    %shift_right_arithmetic3A_85 = arith.constant 7 : i32
    %shift_right_arithmetic3A_86 = arith.shrsi %select_n3A_20, %shift_right_arithmetic3A_85 : i32
    %shift_left3A_87 = arith.constant 7 : i32
    %shift_left3A_88 = arith.shli %shift_right_arithmetic3A_86, %shift_left3A_87 : i32
    %multiple_of3A_89 = tpu.assume_multiple %shift_left3A_88, 128 : i32
    %dma_start3A_90 = arith.constant 0 : i32
    %dma_start3A_91 = arith.constant 2 : i32
    %dma_start3A_92 = arith.constant 0 : i32
    %dma_start3A_93 = arith.constant 0 : i32
    %dma_start3A_94 = tpu.memref_slice %arg6[%dma_start3A_90, %dma_start3A_91, %dma_start3A_92, %dma_start3A_93] : memref<2x8x32x128xf32, #tpu.memory_space<vmem>> -> memref<1x1x32x128xf32, #tpu.memory_space<vmem>>
    %dma_start3A_95 = tpu.memref_squeeze %dma_start3A_94 : memref<1x1x32x128xf32, #tpu.memory_space<vmem>> -> memref<32x128xf32, #tpu.memory_space<vmem>>
    %dma_start3A_96 = arith.constant 0 : i32
    %dma_start3A_97 = tpu.memref_slice %arg3[%dma_start3A_96, %multiple_of3A_89] : memref<32x1000000xf32, #tpu.memory_space<hbm>> -> memref<32x128xf32, #tpu.memory_space<hbm>>
    %dma_start3A_98 = arith.constant 0 : i32
    %dma_start3A_99 = arith.constant 0 : i32
    %dma_start3A_100 = tpu.memref_slice %arg6[%dma_start3A_90, %dma_start3A_91, %dma_start3A_98, %dma_start3A_99] : memref<2x8x32x128xf32, #tpu.memory_space<vmem>> -> memref<1x1x32x128xf32, #tpu.memory_space<vmem>>
    %dma_start3A_101 = tpu.memref_squeeze %dma_start3A_100 : memref<1x1x32x128xf32, #tpu.memory_space<vmem>> -> memref<32x128xf32, #tpu.memory_space<vmem>>
    %dma_start3A_102 = arith.constant 0 : i32
    %dma_start3A_103 = tpu.memref_slice %arg3[%dma_start3A_102, %multiple_of3A_89] : memref<32x1000000xf32, #tpu.memory_space<hbm>> -> memref<32x128xf32, #tpu.memory_space<hbm>>
    tpu.enqueue_dma source(%dma_start3A_103 : memref<32x128xf32, #tpu.memory_space<hbm>>) target(%dma_start3A_101 : memref<32x128xf32, #tpu.memory_space<vmem>>) target_semaphore(%arg8 : memref<!tpu.dma_semaphore, #tpu.memory_space<semaphore_mem>>)
    %shift_right_arithmetic3A_104 = arith.constant 7 : i32
    %shift_right_arithmetic3A_105 = arith.shrsi %select_n3A_26, %shift_right_arithmetic3A_104 : i32
    %shift_left3A_106 = arith.constant 7 : i32
    %shift_left3A_107 = arith.shli %shift_right_arithmetic3A_105, %shift_left3A_106 : i32
    %multiple_of3A_108 = tpu.assume_multiple %shift_left3A_107, 128 : i32
    %dma_start3A_109 = arith.constant 0 : i32
    %dma_start3A_110 = arith.constant 3 : i32
    %dma_start3A_111 = arith.constant 0 : i32
    %dma_start3A_112 = arith.constant 0 : i32
    %dma_start3A_113 = tpu.memref_slice %arg6[%dma_start3A_109, %dma_start3A_110, %dma_start3A_111, %dma_start3A_112] : memref<2x8x32x128xf32, #tpu.memory_space<vmem>> -> memref<1x1x32x128xf32, #tpu.memory_space<vmem>>
    %dma_start3A_114 = tpu.memref_squeeze %dma_start3A_113 : memref<1x1x32x128xf32, #tpu.memory_space<vmem>> -> memref<32x128xf32, #tpu.memory_space<vmem>>
    %dma_start3A_115 = arith.constant 0 : i32
    %dma_start3A_116 = tpu.memref_slice %arg3[%dma_start3A_115, %multiple_of3A_108] : memref<32x1000000xf32, #tpu.memory_space<hbm>> -> memref<32x128xf32, #tpu.memory_space<hbm>>
    %dma_start3A_117 = arith.constant 0 : i32
    %dma_start3A_118 = arith.constant 0 : i32
    %dma_start3A_119 = tpu.memref_slice %arg6[%dma_start3A_109, %dma_start3A_110, %dma_start3A_117, %dma_start3A_118] : memref<2x8x32x128xf32, #tpu.memory_space<vmem>> -> memref<1x1x32x128xf32, #tpu.memory_space<vmem>>
    %dma_start3A_120 = tpu.memref_squeeze %dma_start3A_119 : memref<1x1x32x128xf32, #tpu.memory_space<vmem>> -> memref<32x128xf32, #tpu.memory_space<vmem>>
    %dma_start3A_121 = arith.constant 0 : i32
    %dma_start3A_122 = tpu.memref_slice %arg3[%dma_start3A_121, %multiple_of3A_108] : memref<32x1000000xf32, #tpu.memory_space<hbm>> -> memref<32x128xf32, #tpu.memory_space<hbm>>
    tpu.enqueue_dma source(%dma_start3A_122 : memref<32x128xf32, #tpu.memory_space<hbm>>) target(%dma_start3A_120 : memref<32x128xf32, #tpu.memory_space<vmem>>) target_semaphore(%arg8 : memref<!tpu.dma_semaphore, #tpu.memory_space<semaphore_mem>>)
    %shift_right_arithmetic3A_123 = arith.constant 7 : i32
    %shift_right_arithmetic3A_124 = arith.shrsi %select_n3A_32, %shift_right_arithmetic3A_123 : i32
    %shift_left3A_125 = arith.constant 7 : i32
    %shift_left3A_126 = arith.shli %shift_right_arithmetic3A_124, %shift_left3A_125 : i32
    %multiple_of3A_127 = tpu.assume_multiple %shift_left3A_126, 128 : i32
    %dma_start3A_128 = arith.constant 0 : i32
    %dma_start3A_129 = arith.constant 4 : i32
    %dma_start3A_130 = arith.constant 0 : i32
    %dma_start3A_131 = arith.constant 0 : i32
    %dma_start3A_132 = tpu.memref_slice %arg6[%dma_start3A_128, %dma_start3A_129, %dma_start3A_130, %dma_start3A_131] : memref<2x8x32x128xf32, #tpu.memory_space<vmem>> -> memref<1x1x32x128xf32, #tpu.memory_space<vmem>>
    %dma_start3A_133 = tpu.memref_squeeze %dma_start3A_132 : memref<1x1x32x128xf32, #tpu.memory_space<vmem>> -> memref<32x128xf32, #tpu.memory_space<vmem>>
    %dma_start3A_134 = arith.constant 0 : i32
    %dma_start3A_135 = tpu.memref_slice %arg3[%dma_start3A_134, %multiple_of3A_127] : memref<32x1000000xf32, #tpu.memory_space<hbm>> -> memref<32x128xf32, #tpu.memory_space<hbm>>
    %dma_start3A_136 = arith.constant 0 : i32
    %dma_start3A_137 = arith.constant 0 : i32
    %dma_start3A_138 = tpu.memref_slice %arg6[%dma_start3A_128, %dma_start3A_129, %dma_start3A_136, %dma_start3A_137] : memref<2x8x32x128xf32, #tpu.memory_space<vmem>> -> memref<1x1x32x128xf32, #tpu.memory_space<vmem>>
    %dma_start3A_139 = tpu.memref_squeeze %dma_start3A_138 : memref<1x1x32x128xf32, #tpu.memory_space<vmem>> -> memref<32x128xf32, #tpu.memory_space<vmem>>
    %dma_start3A_140 = arith.constant 0 : i32
    %dma_start3A_141 = tpu.memref_slice %arg3[%dma_start3A_140, %multiple_of3A_127] : memref<32x1000000xf32, #tpu.memory_space<hbm>> -> memref<32x128xf32, #tpu.memory_space<hbm>>
    tpu.enqueue_dma source(%dma_start3A_141 : memref<32x128xf32, #tpu.memory_space<hbm>>) target(%dma_start3A_139 : memref<32x128xf32, #tpu.memory_space<vmem>>) target_semaphore(%arg8 : memref<!tpu.dma_semaphore, #tpu.memory_space<semaphore_mem>>)
    %shift_right_arithmetic3A_142 = arith.constant 7 : i32
    %shift_right_arithmetic3A_143 = arith.shrsi %select_n3A_38, %shift_right_arithmetic3A_142 : i32
    %shift_left3A_144 = arith.constant 7 : i32
    %shift_left3A_145 = arith.shli %shift_right_arithmetic3A_143, %shift_left3A_144 : i32
    %multiple_of3A_146 = tpu.assume_multiple %shift_left3A_145, 128 : i32
    %dma_start3A_147 = arith.constant 0 : i32
    %dma_start3A_148 = arith.constant 5 : i32
    %dma_start3A_149 = arith.constant 0 : i32
    %dma_start3A_150 = arith.constant 0 : i32
    %dma_start3A_151 = tpu.memref_slice %arg6[%dma_start3A_147, %dma_start3A_148, %dma_start3A_149, %dma_start3A_150] : memref<2x8x32x128xf32, #tpu.memory_space<vmem>> -> memref<1x1x32x128xf32, #tpu.memory_space<vmem>>
    %dma_start3A_152 = tpu.memref_squeeze %dma_start3A_151 : memref<1x1x32x128xf32, #tpu.memory_space<vmem>> -> memref<32x128xf32, #tpu.memory_space<vmem>>
    %dma_start3A_153 = arith.constant 0 : i32
    %dma_start3A_154 = tpu.memref_slice %arg3[%dma_start3A_153, %multiple_of3A_146] : memref<32x1000000xf32, #tpu.memory_space<hbm>> -> memref<32x128xf32, #tpu.memory_space<hbm>>
    %dma_start3A_155 = arith.constant 0 : i32
    %dma_start3A_156 = arith.constant 0 : i32
    %dma_start3A_157 = tpu.memref_slice %arg6[%dma_start3A_147, %dma_start3A_148, %dma_start3A_155, %dma_start3A_156] : memref<2x8x32x128xf32, #tpu.memory_space<vmem>> -> memref<1x1x32x128xf32, #tpu.memory_space<vmem>>
    %dma_start3A_158 = tpu.memref_squeeze %dma_start3A_157 : memref<1x1x32x128xf32, #tpu.memory_space<vmem>> -> memref<32x128xf32, #tpu.memory_space<vmem>>
    %dma_start3A_159 = arith.constant 0 : i32
    %dma_start3A_160 = tpu.memref_slice %arg3[%dma_start3A_159, %multiple_of3A_146] : memref<32x1000000xf32, #tpu.memory_space<hbm>> -> memref<32x128xf32, #tpu.memory_space<hbm>>
    tpu.enqueue_dma source(%dma_start3A_160 : memref<32x128xf32, #tpu.memory_space<hbm>>) target(%dma_start3A_158 : memref<32x128xf32, #tpu.memory_space<vmem>>) target_semaphore(%arg8 : memref<!tpu.dma_semaphore, #tpu.memory_space<semaphore_mem>>)
    %shift_right_arithmetic3A_161 = arith.constant 7 : i32
    %shift_right_arithmetic3A_162 = arith.shrsi %select_n3A_44, %shift_right_arithmetic3A_161 : i32
    %shift_left3A_163 = arith.constant 7 : i32
    %shift_left3A_164 = arith.shli %shift_right_arithmetic3A_162, %shift_left3A_163 : i32
    %multiple_of3A_165 = tpu.assume_multiple %shift_left3A_164, 128 : i32
    %dma_start3A_166 = arith.constant 0 : i32
    %dma_start3A_167 = arith.constant 6 : i32
    %dma_start3A_168 = arith.constant 0 : i32
    %dma_start3A_169 = arith.constant 0 : i32
    %dma_start3A_170 = tpu.memref_slice %arg6[%dma_start3A_166, %dma_start3A_167, %dma_start3A_168, %dma_start3A_169] : memref<2x8x32x128xf32, #tpu.memory_space<vmem>> -> memref<1x1x32x128xf32, #tpu.memory_space<vmem>>
    %dma_start3A_171 = tpu.memref_squeeze %dma_start3A_170 : memref<1x1x32x128xf32, #tpu.memory_space<vmem>> -> memref<32x128xf32, #tpu.memory_space<vmem>>
    %dma_start3A_172 = arith.constant 0 : i32
    %dma_start3A_173 = tpu.memref_slice %arg3[%dma_start3A_172, %multiple_of3A_165] : memref<32x1000000xf32, #tpu.memory_space<hbm>> -> memref<32x128xf32, #tpu.memory_space<hbm>>
    %dma_start3A_174 = arith.constant 0 : i32
    %dma_start3A_175 = arith.constant 0 : i32
    %dma_start3A_176 = tpu.memref_slice %arg6[%dma_start3A_166, %dma_start3A_167, %dma_start3A_174, %dma_start3A_175] : memref<2x8x32x128xf32, #tpu.memory_space<vmem>> -> memref<1x1x32x128xf32, #tpu.memory_space<vmem>>
    %dma_start3A_177 = tpu.memref_squeeze %dma_start3A_176 : memref<1x1x32x128xf32, #tpu.memory_space<vmem>> -> memref<32x128xf32, #tpu.memory_space<vmem>>
    %dma_start3A_178 = arith.constant 0 : i32
    %dma_start3A_179 = tpu.memref_slice %arg3[%dma_start3A_178, %multiple_of3A_165] : memref<32x1000000xf32, #tpu.memory_space<hbm>> -> memref<32x128xf32, #tpu.memory_space<hbm>>
    tpu.enqueue_dma source(%dma_start3A_179 : memref<32x128xf32, #tpu.memory_space<hbm>>) target(%dma_start3A_177 : memref<32x128xf32, #tpu.memory_space<vmem>>) target_semaphore(%arg8 : memref<!tpu.dma_semaphore, #tpu.memory_space<semaphore_mem>>)
    %shift_right_arithmetic3A_180 = arith.constant 7 : i32
    %shift_right_arithmetic3A_181 = arith.shrsi %select_n3A_50, %shift_right_arithmetic3A_180 : i32
    %shift_left3A_182 = arith.constant 7 : i32
    %shift_left3A_183 = arith.shli %shift_right_arithmetic3A_181, %shift_left3A_182 : i32
    %multiple_of3A_184 = tpu.assume_multiple %shift_left3A_183, 128 : i32
    %dma_start3A_185 = arith.constant 0 : i32
    %dma_start3A_186 = arith.constant 7 : i32
    %dma_start3A_187 = arith.constant 0 : i32
    %dma_start3A_188 = arith.constant 0 : i32
    %dma_start3A_189 = tpu.memref_slice %arg6[%dma_start3A_185, %dma_start3A_186, %dma_start3A_187, %dma_start3A_188] : memref<2x8x32x128xf32, #tpu.memory_space<vmem>> -> memref<1x1x32x128xf32, #tpu.memory_space<vmem>>
    %dma_start3A_190 = tpu.memref_squeeze %dma_start3A_189 : memref<1x1x32x128xf32, #tpu.memory_space<vmem>> -> memref<32x128xf32, #tpu.memory_space<vmem>>
    %dma_start3A_191 = arith.constant 0 : i32
    %dma_start3A_192 = tpu.memref_slice %arg3[%dma_start3A_191, %multiple_of3A_184] : memref<32x1000000xf32, #tpu.memory_space<hbm>> -> memref<32x128xf32, #tpu.memory_space<hbm>>
    %dma_start3A_193 = arith.constant 0 : i32
    %dma_start3A_194 = arith.constant 0 : i32
    %dma_start3A_195 = tpu.memref_slice %arg6[%dma_start3A_185, %dma_start3A_186, %dma_start3A_193, %dma_start3A_194] : memref<2x8x32x128xf32, #tpu.memory_space<vmem>> -> memref<1x1x32x128xf32, #tpu.memory_space<vmem>>
    %dma_start3A_196 = tpu.memref_squeeze %dma_start3A_195 : memref<1x1x32x128xf32, #tpu.memory_space<vmem>> -> memref<32x128xf32, #tpu.memory_space<vmem>>
    %dma_start3A_197 = arith.constant 0 : i32
    %dma_start3A_198 = tpu.memref_slice %arg3[%dma_start3A_197, %multiple_of3A_184] : memref<32x1000000xf32, #tpu.memory_space<hbm>> -> memref<32x128xf32, #tpu.memory_space<hbm>>
    tpu.enqueue_dma source(%dma_start3A_198 : memref<32x128xf32, #tpu.memory_space<hbm>>) target(%dma_start3A_196 : memref<32x128xf32, #tpu.memory_space<vmem>>) target_semaphore(%arg8 : memref<!tpu.dma_semaphore, #tpu.memory_space<semaphore_mem>>)
    %scan3A = arith.constant 0 : i32
    %scan3A_199 = arith.constant 0 : i32
    %scan3A_200 = arith.constant 64 : i32
    %scan3A_201 = arith.addi %scan3A_199, %scan3A_200 : i32
    %scan3A_202 = arith.constant 1 : i32
    scf.for %scan3A_204 = %scan3A_199 to %scan3A_201 step %scan3A_202  : i32 {
      %rem3A = arith.constant 2 : i32
      %rem3A_205 = arith.remsi %scan3A_204, %rem3A : i32
      %add3A_206 = arith.constant 1 : i32
      %add3A_207 = arith.addi %scan3A_204, %add3A_206 : i32
      %lt3A = arith.constant 64 : i32
      %lt3A_208 = arith.cmpi slt, %add3A_207, %lt3A : i32
      %convert_element_type3A = arith.extui %lt3A_208 : i1 to i32
      %cond3A = arith.constant 0 : i32
      %cond3A_209 = arith.cmpi ne, %convert_element_type3A, %cond3A : i32
      scf.if %cond3A_209 {
        %add3A_479 = arith.constant 1 : i32
        %add3A_480 = arith.addi %scan3A_204, %add3A_479 : i32
        %sub3A = arith.constant 1 : i32
        %sub3A_481 = arith.subi %sub3A, %rem3A_205 : i32
        %shift_right_arithmetic3A_482 = arith.constant 1 : i32
        %shift_right_arithmetic3A_483 = arith.shrsi %add3A_480, %shift_right_arithmetic3A_482 : i32
        %mul3A_484 = arith.constant 16 : i32
        %mul3A_485 = arith.muli %shift_right_arithmetic3A_483, %mul3A_484 : i32
        %get3A_486 = arith.index_cast %mul3A_485 : i32 to index
        %get3A_487 = tpu.vector_load %arg5[%get3A_486] {strides = array<i32>} : memref<512xi32, #tpu.memory_space<vmem>>, vector<16xi32>,
        %and3A_488 = arith.constant 1 : i32
        %and3A_489 = arith.andi %add3A_480, %and3A_488 : i32
        %ne3A_490 = arith.constant 0 : i32
        %ne3A_491 = arith.cmpi ne, %and3A_489, %ne3A_490 : i32
        %slice3A_492 = vector.extract_strided_slice %get3A_487 {offsets = [8], sizes = [1], strides = [1]} : vector<16xi32> to vector<1xi32>
        %squeeze3A_493 = vector.extract %slice3A_492[0] : i32 from vector<1xi32>
        %slice3A_494 = vector.extract_strided_slice %get3A_487 {offsets = [0], sizes = [1], strides = [1]} : vector<16xi32> to vector<1xi32>
        %squeeze3A_495 = vector.extract %slice3A_494[0] : i32 from vector<1xi32>
        %select_n3A_496 = arith.select %ne3A_491, %squeeze3A_493, %squeeze3A_495 : i32
        %ne3A_497 = arith.constant 0 : i32
        %ne3A_498 = arith.cmpi ne, %and3A_489, %ne3A_497 : i32
        %slice3A_499 = vector.extract_strided_slice %get3A_487 {offsets = [9], sizes = [1], strides = [1]} : vector<16xi32> to vector<1xi32>
        %squeeze3A_500 = vector.extract %slice3A_499[0] : i32 from vector<1xi32>
        %slice3A_501 = vector.extract_strided_slice %get3A_487 {offsets = [1], sizes = [1], strides = [1]} : vector<16xi32> to vector<1xi32>
        %squeeze3A_502 = vector.extract %slice3A_501[0] : i32 from vector<1xi32>
        %select_n3A_503 = arith.select %ne3A_498, %squeeze3A_500, %squeeze3A_502 : i32
        %ne3A_504 = arith.constant 0 : i32
        %ne3A_505 = arith.cmpi ne, %and3A_489, %ne3A_504 : i32
        %slice3A_506 = vector.extract_strided_slice %get3A_487 {offsets = [10], sizes = [1], strides = [1]} : vector<16xi32> to vector<1xi32>
        %squeeze3A_507 = vector.extract %slice3A_506[0] : i32 from vector<1xi32>
        %slice3A_508 = vector.extract_strided_slice %get3A_487 {offsets = [2], sizes = [1], strides = [1]} : vector<16xi32> to vector<1xi32>
        %squeeze3A_509 = vector.extract %slice3A_508[0] : i32 from vector<1xi32>
        %select_n3A_510 = arith.select %ne3A_505, %squeeze3A_507, %squeeze3A_509 : i32
        %ne3A_511 = arith.constant 0 : i32
        %ne3A_512 = arith.cmpi ne, %and3A_489, %ne3A_511 : i32
        %slice3A_513 = vector.extract_strided_slice %get3A_487 {offsets = [11], sizes = [1], strides = [1]} : vector<16xi32> to vector<1xi32>
        %squeeze3A_514 = vector.extract %slice3A_513[0] : i32 from vector<1xi32>
        %slice3A_515 = vector.extract_strided_slice %get3A_487 {offsets = [3], sizes = [1], strides = [1]} : vector<16xi32> to vector<1xi32>
        %squeeze3A_516 = vector.extract %slice3A_515[0] : i32 from vector<1xi32>
        %select_n3A_517 = arith.select %ne3A_512, %squeeze3A_514, %squeeze3A_516 : i32
        %ne3A_518 = arith.constant 0 : i32
        %ne3A_519 = arith.cmpi ne, %and3A_489, %ne3A_518 : i32
        %slice3A_520 = vector.extract_strided_slice %get3A_487 {offsets = [12], sizes = [1], strides = [1]} : vector<16xi32> to vector<1xi32>
        %squeeze3A_521 = vector.extract %slice3A_520[0] : i32 from vector<1xi32>
        %slice3A_522 = vector.extract_strided_slice %get3A_487 {offsets = [4], sizes = [1], strides = [1]} : vector<16xi32> to vector<1xi32>
        %squeeze3A_523 = vector.extract %slice3A_522[0] : i32 from vector<1xi32>
        %select_n3A_524 = arith.select %ne3A_519, %squeeze3A_521, %squeeze3A_523 : i32
        %ne3A_525 = arith.constant 0 : i32
        %ne3A_526 = arith.cmpi ne, %and3A_489, %ne3A_525 : i32
        %slice3A_527 = vector.extract_strided_slice %get3A_487 {offsets = [13], sizes = [1], strides = [1]} : vector<16xi32> to vector<1xi32>
        %squeeze3A_528 = vector.extract %slice3A_527[0] : i32 from vector<1xi32>
        %slice3A_529 = vector.extract_strided_slice %get3A_487 {offsets = [5], sizes = [1], strides = [1]} : vector<16xi32> to vector<1xi32>
        %squeeze3A_530 = vector.extract %slice3A_529[0] : i32 from vector<1xi32>
        %select_n3A_531 = arith.select %ne3A_526, %squeeze3A_528, %squeeze3A_530 : i32
        %ne3A_532 = arith.constant 0 : i32
        %ne3A_533 = arith.cmpi ne, %and3A_489, %ne3A_532 : i32
        %slice3A_534 = vector.extract_strided_slice %get3A_487 {offsets = [14], sizes = [1], strides = [1]} : vector<16xi32> to vector<1xi32>
        %squeeze3A_535 = vector.extract %slice3A_534[0] : i32 from vector<1xi32>
        %slice3A_536 = vector.extract_strided_slice %get3A_487 {offsets = [6], sizes = [1], strides = [1]} : vector<16xi32> to vector<1xi32>
        %squeeze3A_537 = vector.extract %slice3A_536[0] : i32 from vector<1xi32>
        %select_n3A_538 = arith.select %ne3A_533, %squeeze3A_535, %squeeze3A_537 : i32
        %ne3A_539 = arith.constant 0 : i32
        %ne3A_540 = arith.cmpi ne, %and3A_489, %ne3A_539 : i32
        %slice3A_541 = vector.extract_strided_slice %get3A_487 {offsets = [15], sizes = [1], strides = [1]} : vector<16xi32> to vector<1xi32>
        %squeeze3A_542 = vector.extract %slice3A_541[0] : i32 from vector<1xi32>
        %slice3A_543 = vector.extract_strided_slice %get3A_487 {offsets = [7], sizes = [1], strides = [1]} : vector<16xi32> to vector<1xi32>
        %squeeze3A_544 = vector.extract %slice3A_543[0] : i32 from vector<1xi32>
        %select_n3A_545 = arith.select %ne3A_540, %squeeze3A_542, %squeeze3A_544 : i32
        %shift_right_arithmetic3A_546 = arith.constant 7 : i32
        %shift_right_arithmetic3A_547 = arith.shrsi %select_n3A_496, %shift_right_arithmetic3A_546 : i32
        %shift_left3A_548 = arith.constant 7 : i32
        %shift_left3A_549 = arith.shli %shift_right_arithmetic3A_547, %shift_left3A_548 : i32
        %multiple_of3A_550 = tpu.assume_multiple %shift_left3A_549, 128 : i32
        %dma_start3A_551 = arith.constant 0 : i32
        %dma_start3A_552 = arith.constant 0 : i32
        %dma_start3A_553 = arith.constant 0 : i32
        %dma_start3A_554 = tpu.memref_slice %arg6[%sub3A_481, %dma_start3A_551, %dma_start3A_552, %dma_start3A_553] : memref<2x8x32x128xf32, #tpu.memory_space<vmem>> -> memref<1x1x32x128xf32, #tpu.memory_space<vmem>>
        %dma_start3A_555 = tpu.memref_squeeze %dma_start3A_554 : memref<1x1x32x128xf32, #tpu.memory_space<vmem>> -> memref<32x128xf32, #tpu.memory_space<vmem>>
        %dma_start3A_556 = arith.constant 0 : i32
        %dma_start3A_557 = tpu.memref_slice %arg3[%dma_start3A_556, %multiple_of3A_550] : memref<32x1000000xf32, #tpu.memory_space<hbm>> -> memref<32x128xf32, #tpu.memory_space<hbm>>
        %dma_start3A_558 = arith.constant 0 : i32
        %dma_start3A_559 = arith.constant 0 : i32
        %dma_start3A_560 = tpu.memref_slice %arg6[%sub3A_481, %dma_start3A_551, %dma_start3A_558, %dma_start3A_559] : memref<2x8x32x128xf32, #tpu.memory_space<vmem>> -> memref<1x1x32x128xf32, #tpu.memory_space<vmem>>
        %dma_start3A_561 = tpu.memref_squeeze %dma_start3A_560 : memref<1x1x32x128xf32, #tpu.memory_space<vmem>> -> memref<32x128xf32, #tpu.memory_space<vmem>>
        %dma_start3A_562 = arith.constant 0 : i32
        %dma_start3A_563 = tpu.memref_slice %arg3[%dma_start3A_562, %multiple_of3A_550] : memref<32x1000000xf32, #tpu.memory_space<hbm>> -> memref<32x128xf32, #tpu.memory_space<hbm>>
        tpu.enqueue_dma source(%dma_start3A_563 : memref<32x128xf32, #tpu.memory_space<hbm>>) target(%dma_start3A_561 : memref<32x128xf32, #tpu.memory_space<vmem>>) target_semaphore(%arg8 : memref<!tpu.dma_semaphore, #tpu.memory_space<semaphore_mem>>)
        %shift_right_arithmetic3A_564 = arith.constant 7 : i32
        %shift_right_arithmetic3A_565 = arith.shrsi %select_n3A_503, %shift_right_arithmetic3A_564 : i32
        %shift_left3A_566 = arith.constant 7 : i32
        %shift_left3A_567 = arith.shli %shift_right_arithmetic3A_565, %shift_left3A_566 : i32
        %multiple_of3A_568 = tpu.assume_multiple %shift_left3A_567, 128 : i32
        %dma_start3A_569 = arith.constant 1 : i32
        %dma_start3A_570 = arith.constant 0 : i32
        %dma_start3A_571 = arith.constant 0 : i32
        %dma_start3A_572 = tpu.memref_slice %arg6[%sub3A_481, %dma_start3A_569, %dma_start3A_570, %dma_start3A_571] : memref<2x8x32x128xf32, #tpu.memory_space<vmem>> -> memref<1x1x32x128xf32, #tpu.memory_space<vmem>>
        %dma_start3A_573 = tpu.memref_squeeze %dma_start3A_572 : memref<1x1x32x128xf32, #tpu.memory_space<vmem>> -> memref<32x128xf32, #tpu.memory_space<vmem>>
        %dma_start3A_574 = arith.constant 0 : i32
        %dma_start3A_575 = tpu.memref_slice %arg3[%dma_start3A_574, %multiple_of3A_568] : memref<32x1000000xf32, #tpu.memory_space<hbm>> -> memref<32x128xf32, #tpu.memory_space<hbm>>
        %dma_start3A_576 = arith.constant 0 : i32
        %dma_start3A_577 = arith.constant 0 : i32
        %dma_start3A_578 = tpu.memref_slice %arg6[%sub3A_481, %dma_start3A_569, %dma_start3A_576, %dma_start3A_577] : memref<2x8x32x128xf32, #tpu.memory_space<vmem>> -> memref<1x1x32x128xf32, #tpu.memory_space<vmem>>
        %dma_start3A_579 = tpu.memref_squeeze %dma_start3A_578 : memref<1x1x32x128xf32, #tpu.memory_space<vmem>> -> memref<32x128xf32, #tpu.memory_space<vmem>>
        %dma_start3A_580 = arith.constant 0 : i32
        %dma_start3A_581 = tpu.memref_slice %arg3[%dma_start3A_580, %multiple_of3A_568] : memref<32x1000000xf32, #tpu.memory_space<hbm>> -> memref<32x128xf32, #tpu.memory_space<hbm>>
        tpu.enqueue_dma source(%dma_start3A_581 : memref<32x128xf32, #tpu.memory_space<hbm>>) target(%dma_start3A_579 : memref<32x128xf32, #tpu.memory_space<vmem>>) target_semaphore(%arg8 : memref<!tpu.dma_semaphore, #tpu.memory_space<semaphore_mem>>)
        %shift_right_arithmetic3A_582 = arith.constant 7 : i32
        %shift_right_arithmetic3A_583 = arith.shrsi %select_n3A_510, %shift_right_arithmetic3A_582 : i32
        %shift_left3A_584 = arith.constant 7 : i32
        %shift_left3A_585 = arith.shli %shift_right_arithmetic3A_583, %shift_left3A_584 : i32
        %multiple_of3A_586 = tpu.assume_multiple %shift_left3A_585, 128 : i32
        %dma_start3A_587 = arith.constant 2 : i32
        %dma_start3A_588 = arith.constant 0 : i32
        %dma_start3A_589 = arith.constant 0 : i32
        %dma_start3A_590 = tpu.memref_slice %arg6[%sub3A_481, %dma_start3A_587, %dma_start3A_588, %dma_start3A_589] : memref<2x8x32x128xf32, #tpu.memory_space<vmem>> -> memref<1x1x32x128xf32, #tpu.memory_space<vmem>>
        %dma_start3A_591 = tpu.memref_squeeze %dma_start3A_590 : memref<1x1x32x128xf32, #tpu.memory_space<vmem>> -> memref<32x128xf32, #tpu.memory_space<vmem>>
        %dma_start3A_592 = arith.constant 0 : i32
        %dma_start3A_593 = tpu.memref_slice %arg3[%dma_start3A_592, %multiple_of3A_586] : memref<32x1000000xf32, #tpu.memory_space<hbm>> -> memref<32x128xf32, #tpu.memory_space<hbm>>
        %dma_start3A_594 = arith.constant 0 : i32
        %dma_start3A_595 = arith.constant 0 : i32
        %dma_start3A_596 = tpu.memref_slice %arg6[%sub3A_481, %dma_start3A_587, %dma_start3A_594, %dma_start3A_595] : memref<2x8x32x128xf32, #tpu.memory_space<vmem>> -> memref<1x1x32x128xf32, #tpu.memory_space<vmem>>
        %dma_start3A_597 = tpu.memref_squeeze %dma_start3A_596 : memref<1x1x32x128xf32, #tpu.memory_space<vmem>> -> memref<32x128xf32, #tpu.memory_space<vmem>>
        %dma_start3A_598 = arith.constant 0 : i32
        %dma_start3A_599 = tpu.memref_slice %arg3[%dma_start3A_598, %multiple_of3A_586] : memref<32x1000000xf32, #tpu.memory_space<hbm>> -> memref<32x128xf32, #tpu.memory_space<hbm>>
        tpu.enqueue_dma source(%dma_start3A_599 : memref<32x128xf32, #tpu.memory_space<hbm>>) target(%dma_start3A_597 : memref<32x128xf32, #tpu.memory_space<vmem>>) target_semaphore(%arg8 : memref<!tpu.dma_semaphore, #tpu.memory_space<semaphore_mem>>)
        %shift_right_arithmetic3A_600 = arith.constant 7 : i32
        %shift_right_arithmetic3A_601 = arith.shrsi %select_n3A_517, %shift_right_arithmetic3A_600 : i32
        %shift_left3A_602 = arith.constant 7 : i32
        %shift_left3A_603 = arith.shli %shift_right_arithmetic3A_601, %shift_left3A_602 : i32
        %multiple_of3A_604 = tpu.assume_multiple %shift_left3A_603, 128 : i32
        %dma_start3A_605 = arith.constant 3 : i32
        %dma_start3A_606 = arith.constant 0 : i32
        %dma_start3A_607 = arith.constant 0 : i32
        %dma_start3A_608 = tpu.memref_slice %arg6[%sub3A_481, %dma_start3A_605, %dma_start3A_606, %dma_start3A_607] : memref<2x8x32x128xf32, #tpu.memory_space<vmem>> -> memref<1x1x32x128xf32, #tpu.memory_space<vmem>>
        %dma_start3A_609 = tpu.memref_squeeze %dma_start3A_608 : memref<1x1x32x128xf32, #tpu.memory_space<vmem>> -> memref<32x128xf32, #tpu.memory_space<vmem>>
        %dma_start3A_610 = arith.constant 0 : i32
        %dma_start3A_611 = tpu.memref_slice %arg3[%dma_start3A_610, %multiple_of3A_604] : memref<32x1000000xf32, #tpu.memory_space<hbm>> -> memref<32x128xf32, #tpu.memory_space<hbm>>
        %dma_start3A_612 = arith.constant 0 : i32
        %dma_start3A_613 = arith.constant 0 : i32
        %dma_start3A_614 = tpu.memref_slice %arg6[%sub3A_481, %dma_start3A_605, %dma_start3A_612, %dma_start3A_613] : memref<2x8x32x128xf32, #tpu.memory_space<vmem>> -> memref<1x1x32x128xf32, #tpu.memory_space<vmem>>
        %dma_start3A_615 = tpu.memref_squeeze %dma_start3A_614 : memref<1x1x32x128xf32, #tpu.memory_space<vmem>> -> memref<32x128xf32, #tpu.memory_space<vmem>>
        %dma_start3A_616 = arith.constant 0 : i32
        %dma_start3A_617 = tpu.memref_slice %arg3[%dma_start3A_616, %multiple_of3A_604] : memref<32x1000000xf32, #tpu.memory_space<hbm>> -> memref<32x128xf32, #tpu.memory_space<hbm>>
        tpu.enqueue_dma source(%dma_start3A_617 : memref<32x128xf32, #tpu.memory_space<hbm>>) target(%dma_start3A_615 : memref<32x128xf32, #tpu.memory_space<vmem>>) target_semaphore(%arg8 : memref<!tpu.dma_semaphore, #tpu.memory_space<semaphore_mem>>)
        %shift_right_arithmetic3A_618 = arith.constant 7 : i32
        %shift_right_arithmetic3A_619 = arith.shrsi %select_n3A_524, %shift_right_arithmetic3A_618 : i32
        %shift_left3A_620 = arith.constant 7 : i32
        %shift_left3A_621 = arith.shli %shift_right_arithmetic3A_619, %shift_left3A_620 : i32
        %multiple_of3A_622 = tpu.assume_multiple %shift_left3A_621, 128 : i32
        %dma_start3A_623 = arith.constant 4 : i32
        %dma_start3A_624 = arith.constant 0 : i32
        %dma_start3A_625 = arith.constant 0 : i32
        %dma_start3A_626 = tpu.memref_slice %arg6[%sub3A_481, %dma_start3A_623, %dma_start3A_624, %dma_start3A_625] : memref<2x8x32x128xf32, #tpu.memory_space<vmem>> -> memref<1x1x32x128xf32, #tpu.memory_space<vmem>>
        %dma_start3A_627 = tpu.memref_squeeze %dma_start3A_626 : memref<1x1x32x128xf32, #tpu.memory_space<vmem>> -> memref<32x128xf32, #tpu.memory_space<vmem>>
        %dma_start3A_628 = arith.constant 0 : i32
        %dma_start3A_629 = tpu.memref_slice %arg3[%dma_start3A_628, %multiple_of3A_622] : memref<32x1000000xf32, #tpu.memory_space<hbm>> -> memref<32x128xf32, #tpu.memory_space<hbm>>
        %dma_start3A_630 = arith.constant 0 : i32
        %dma_start3A_631 = arith.constant 0 : i32
        %dma_start3A_632 = tpu.memref_slice %arg6[%sub3A_481, %dma_start3A_623, %dma_start3A_630, %dma_start3A_631] : memref<2x8x32x128xf32, #tpu.memory_space<vmem>> -> memref<1x1x32x128xf32, #tpu.memory_space<vmem>>
        %dma_start3A_633 = tpu.memref_squeeze %dma_start3A_632 : memref<1x1x32x128xf32, #tpu.memory_space<vmem>> -> memref<32x128xf32, #tpu.memory_space<vmem>>
        %dma_start3A_634 = arith.constant 0 : i32
        %dma_start3A_635 = tpu.memref_slice %arg3[%dma_start3A_634, %multiple_of3A_622] : memref<32x1000000xf32, #tpu.memory_space<hbm>> -> memref<32x128xf32, #tpu.memory_space<hbm>>
        tpu.enqueue_dma source(%dma_start3A_635 : memref<32x128xf32, #tpu.memory_space<hbm>>) target(%dma_start3A_633 : memref<32x128xf32, #tpu.memory_space<vmem>>) target_semaphore(%arg8 : memref<!tpu.dma_semaphore, #tpu.memory_space<semaphore_mem>>)
        %shift_right_arithmetic3A_636 = arith.constant 7 : i32
        %shift_right_arithmetic3A_637 = arith.shrsi %select_n3A_531, %shift_right_arithmetic3A_636 : i32
        %shift_left3A_638 = arith.constant 7 : i32
        %shift_left3A_639 = arith.shli %shift_right_arithmetic3A_637, %shift_left3A_638 : i32
        %multiple_of3A_640 = tpu.assume_multiple %shift_left3A_639, 128 : i32
        %dma_start3A_641 = arith.constant 5 : i32
        %dma_start3A_642 = arith.constant 0 : i32
        %dma_start3A_643 = arith.constant 0 : i32
        %dma_start3A_644 = tpu.memref_slice %arg6[%sub3A_481, %dma_start3A_641, %dma_start3A_642, %dma_start3A_643] : memref<2x8x32x128xf32, #tpu.memory_space<vmem>> -> memref<1x1x32x128xf32, #tpu.memory_space<vmem>>
        %dma_start3A_645 = tpu.memref_squeeze %dma_start3A_644 : memref<1x1x32x128xf32, #tpu.memory_space<vmem>> -> memref<32x128xf32, #tpu.memory_space<vmem>>
        %dma_start3A_646 = arith.constant 0 : i32
        %dma_start3A_647 = tpu.memref_slice %arg3[%dma_start3A_646, %multiple_of3A_640] : memref<32x1000000xf32, #tpu.memory_space<hbm>> -> memref<32x128xf32, #tpu.memory_space<hbm>>
        %dma_start3A_648 = arith.constant 0 : i32
        %dma_start3A_649 = arith.constant 0 : i32
        %dma_start3A_650 = tpu.memref_slice %arg6[%sub3A_481, %dma_start3A_641, %dma_start3A_648, %dma_start3A_649] : memref<2x8x32x128xf32, #tpu.memory_space<vmem>> -> memref<1x1x32x128xf32, #tpu.memory_space<vmem>>
        %dma_start3A_651 = tpu.memref_squeeze %dma_start3A_650 : memref<1x1x32x128xf32, #tpu.memory_space<vmem>> -> memref<32x128xf32, #tpu.memory_space<vmem>>
        %dma_start3A_652 = arith.constant 0 : i32
        %dma_start3A_653 = tpu.memref_slice %arg3[%dma_start3A_652, %multiple_of3A_640] : memref<32x1000000xf32, #tpu.memory_space<hbm>> -> memref<32x128xf32, #tpu.memory_space<hbm>>
        tpu.enqueue_dma source(%dma_start3A_653 : memref<32x128xf32, #tpu.memory_space<hbm>>) target(%dma_start3A_651 : memref<32x128xf32, #tpu.memory_space<vmem>>) target_semaphore(%arg8 : memref<!tpu.dma_semaphore, #tpu.memory_space<semaphore_mem>>)
        %shift_right_arithmetic3A_654 = arith.constant 7 : i32
        %shift_right_arithmetic3A_655 = arith.shrsi %select_n3A_538, %shift_right_arithmetic3A_654 : i32
        %shift_left3A_656 = arith.constant 7 : i32
        %shift_left3A_657 = arith.shli %shift_right_arithmetic3A_655, %shift_left3A_656 : i32
        %multiple_of3A_658 = tpu.assume_multiple %shift_left3A_657, 128 : i32
        %dma_start3A_659 = arith.constant 6 : i32
        %dma_start3A_660 = arith.constant 0 : i32
        %dma_start3A_661 = arith.constant 0 : i32
        %dma_start3A_662 = tpu.memref_slice %arg6[%sub3A_481, %dma_start3A_659, %dma_start3A_660, %dma_start3A_661] : memref<2x8x32x128xf32, #tpu.memory_space<vmem>> -> memref<1x1x32x128xf32, #tpu.memory_space<vmem>>
        %dma_start3A_663 = tpu.memref_squeeze %dma_start3A_662 : memref<1x1x32x128xf32, #tpu.memory_space<vmem>> -> memref<32x128xf32, #tpu.memory_space<vmem>>
        %dma_start3A_664 = arith.constant 0 : i32
        %dma_start3A_665 = tpu.memref_slice %arg3[%dma_start3A_664, %multiple_of3A_658] : memref<32x1000000xf32, #tpu.memory_space<hbm>> -> memref<32x128xf32, #tpu.memory_space<hbm>>
        %dma_start3A_666 = arith.constant 0 : i32
        %dma_start3A_667 = arith.constant 0 : i32
        %dma_start3A_668 = tpu.memref_slice %arg6[%sub3A_481, %dma_start3A_659, %dma_start3A_666, %dma_start3A_667] : memref<2x8x32x128xf32, #tpu.memory_space<vmem>> -> memref<1x1x32x128xf32, #tpu.memory_space<vmem>>
        %dma_start3A_669 = tpu.memref_squeeze %dma_start3A_668 : memref<1x1x32x128xf32, #tpu.memory_space<vmem>> -> memref<32x128xf32, #tpu.memory_space<vmem>>
        %dma_start3A_670 = arith.constant 0 : i32
        %dma_start3A_671 = tpu.memref_slice %arg3[%dma_start3A_670, %multiple_of3A_658] : memref<32x1000000xf32, #tpu.memory_space<hbm>> -> memref<32x128xf32, #tpu.memory_space<hbm>>
        tpu.enqueue_dma source(%dma_start3A_671 : memref<32x128xf32, #tpu.memory_space<hbm>>) target(%dma_start3A_669 : memref<32x128xf32, #tpu.memory_space<vmem>>) target_semaphore(%arg8 : memref<!tpu.dma_semaphore, #tpu.memory_space<semaphore_mem>>)
        %shift_right_arithmetic3A_672 = arith.constant 7 : i32
        %shift_right_arithmetic3A_673 = arith.shrsi %select_n3A_545, %shift_right_arithmetic3A_672 : i32
        %shift_left3A_674 = arith.constant 7 : i32
        %shift_left3A_675 = arith.shli %shift_right_arithmetic3A_673, %shift_left3A_674 : i32
        %multiple_of3A_676 = tpu.assume_multiple %shift_left3A_675, 128 : i32
        %dma_start3A_677 = arith.constant 7 : i32
        %dma_start3A_678 = arith.constant 0 : i32
        %dma_start3A_679 = arith.constant 0 : i32
        %dma_start3A_680 = tpu.memref_slice %arg6[%sub3A_481, %dma_start3A_677, %dma_start3A_678, %dma_start3A_679] : memref<2x8x32x128xf32, #tpu.memory_space<vmem>> -> memref<1x1x32x128xf32, #tpu.memory_space<vmem>>
        %dma_start3A_681 = tpu.memref_squeeze %dma_start3A_680 : memref<1x1x32x128xf32, #tpu.memory_space<vmem>> -> memref<32x128xf32, #tpu.memory_space<vmem>>
        %dma_start3A_682 = arith.constant 0 : i32
        %dma_start3A_683 = tpu.memref_slice %arg3[%dma_start3A_682, %multiple_of3A_676] : memref<32x1000000xf32, #tpu.memory_space<hbm>> -> memref<32x128xf32, #tpu.memory_space<hbm>>
        %dma_start3A_684 = arith.constant 0 : i32
        %dma_start3A_685 = arith.constant 0 : i32
        %dma_start3A_686 = tpu.memref_slice %arg6[%sub3A_481, %dma_start3A_677, %dma_start3A_684, %dma_start3A_685] : memref<2x8x32x128xf32, #tpu.memory_space<vmem>> -> memref<1x1x32x128xf32, #tpu.memory_space<vmem>>
        %dma_start3A_687 = tpu.memref_squeeze %dma_start3A_686 : memref<1x1x32x128xf32, #tpu.memory_space<vmem>> -> memref<32x128xf32, #tpu.memory_space<vmem>>
        %dma_start3A_688 = arith.constant 0 : i32
        %dma_start3A_689 = tpu.memref_slice %arg3[%dma_start3A_688, %multiple_of3A_676] : memref<32x1000000xf32, #tpu.memory_space<hbm>> -> memref<32x128xf32, #tpu.memory_space<hbm>>
        tpu.enqueue_dma source(%dma_start3A_689 : memref<32x128xf32, #tpu.memory_space<hbm>>) target(%dma_start3A_687 : memref<32x128xf32, #tpu.memory_space<vmem>>) target_semaphore(%arg8 : memref<!tpu.dma_semaphore, #tpu.memory_space<semaphore_mem>>)
      } else {
      }
      %mul3A_210 = arith.constant 8 : i32
      %mul3A_211 = arith.muli %scan3A_204, %mul3A_210 : i32
      %shift_right_arithmetic3A_212 = arith.constant 1 : i32
      %shift_right_arithmetic3A_213 = arith.shrsi %scan3A_204, %shift_right_arithmetic3A_212 : i32
      %mul3A_214 = arith.constant 16 : i32
      %mul3A_215 = arith.muli %shift_right_arithmetic3A_213, %mul3A_214 : i32
      %get3A_216 = arith.index_cast %mul3A_215 : i32 to index
      %get3A_217 = tpu.vector_load %arg5[%get3A_216] {strides = array<i32>} : memref<512xi32, #tpu.memory_space<vmem>>, vector<16xi32>,
      %and3A = arith.constant 1 : i32
      %and3A_218 = arith.andi %scan3A_204, %and3A : i32
      %ne3A = arith.constant 0 : i32
      %ne3A_219 = arith.cmpi ne, %and3A_218, %ne3A : i32
      %slice3A_220 = vector.extract_strided_slice %get3A_217 {offsets = [8], sizes = [1], strides = [1]} : vector<16xi32> to vector<1xi32>
      %squeeze3A_221 = vector.extract %slice3A_220[0] : i32 from vector<1xi32>
      %slice3A_222 = vector.extract_strided_slice %get3A_217 {offsets = [0], sizes = [1], strides = [1]} : vector<16xi32> to vector<1xi32>
      %squeeze3A_223 = vector.extract %slice3A_222[0] : i32 from vector<1xi32>
      %select_n3A_224 = arith.select %ne3A_219, %squeeze3A_221, %squeeze3A_223 : i32
      %ne3A_225 = arith.constant 0 : i32
      %ne3A_226 = arith.cmpi ne, %and3A_218, %ne3A_225 : i32
      %slice3A_227 = vector.extract_strided_slice %get3A_217 {offsets = [9], sizes = [1], strides = [1]} : vector<16xi32> to vector<1xi32>
      %squeeze3A_228 = vector.extract %slice3A_227[0] : i32 from vector<1xi32>
      %slice3A_229 = vector.extract_strided_slice %get3A_217 {offsets = [1], sizes = [1], strides = [1]} : vector<16xi32> to vector<1xi32>
      %squeeze3A_230 = vector.extract %slice3A_229[0] : i32 from vector<1xi32>
      %select_n3A_231 = arith.select %ne3A_226, %squeeze3A_228, %squeeze3A_230 : i32
      %ne3A_232 = arith.constant 0 : i32
      %ne3A_233 = arith.cmpi ne, %and3A_218, %ne3A_232 : i32
      %slice3A_234 = vector.extract_strided_slice %get3A_217 {offsets = [10], sizes = [1], strides = [1]} : vector<16xi32> to vector<1xi32>
      %squeeze3A_235 = vector.extract %slice3A_234[0] : i32 from vector<1xi32>
      %slice3A_236 = vector.extract_strided_slice %get3A_217 {offsets = [2], sizes = [1], strides = [1]} : vector<16xi32> to vector<1xi32>
      %squeeze3A_237 = vector.extract %slice3A_236[0] : i32 from vector<1xi32>
      %select_n3A_238 = arith.select %ne3A_233, %squeeze3A_235, %squeeze3A_237 : i32
      %ne3A_239 = arith.constant 0 : i32
      %ne3A_240 = arith.cmpi ne, %and3A_218, %ne3A_239 : i32
      %slice3A_241 = vector.extract_strided_slice %get3A_217 {offsets = [11], sizes = [1], strides = [1]} : vector<16xi32> to vector<1xi32>
      %squeeze3A_242 = vector.extract %slice3A_241[0] : i32 from vector<1xi32>
      %slice3A_243 = vector.extract_strided_slice %get3A_217 {offsets = [3], sizes = [1], strides = [1]} : vector<16xi32> to vector<1xi32>
      %squeeze3A_244 = vector.extract %slice3A_243[0] : i32 from vector<1xi32>
      %select_n3A_245 = arith.select %ne3A_240, %squeeze3A_242, %squeeze3A_244 : i32
      %ne3A_246 = arith.constant 0 : i32
      %ne3A_247 = arith.cmpi ne, %and3A_218, %ne3A_246 : i32
      %slice3A_248 = vector.extract_strided_slice %get3A_217 {offsets = [12], sizes = [1], strides = [1]} : vector<16xi32> to vector<1xi32>
      %squeeze3A_249 = vector.extract %slice3A_248[0] : i32 from vector<1xi32>
      %slice3A_250 = vector.extract_strided_slice %get3A_217 {offsets = [4], sizes = [1], strides = [1]} : vector<16xi32> to vector<1xi32>
      %squeeze3A_251 = vector.extract %slice3A_250[0] : i32 from vector<1xi32>
      %select_n3A_252 = arith.select %ne3A_247, %squeeze3A_249, %squeeze3A_251 : i32
      %ne3A_253 = arith.constant 0 : i32
      %ne3A_254 = arith.cmpi ne, %and3A_218, %ne3A_253 : i32
      %slice3A_255 = vector.extract_strided_slice %get3A_217 {offsets = [13], sizes = [1], strides = [1]} : vector<16xi32> to vector<1xi32>
      %squeeze3A_256 = vector.extract %slice3A_255[0] : i32 from vector<1xi32>
      %slice3A_257 = vector.extract_strided_slice %get3A_217 {offsets = [5], sizes = [1], strides = [1]} : vector<16xi32> to vector<1xi32>
      %squeeze3A_258 = vector.extract %slice3A_257[0] : i32 from vector<1xi32>
      %select_n3A_259 = arith.select %ne3A_254, %squeeze3A_256, %squeeze3A_258 : i32
      %ne3A_260 = arith.constant 0 : i32
      %ne3A_261 = arith.cmpi ne, %and3A_218, %ne3A_260 : i32
      %slice3A_262 = vector.extract_strided_slice %get3A_217 {offsets = [14], sizes = [1], strides = [1]} : vector<16xi32> to vector<1xi32>
      %squeeze3A_263 = vector.extract %slice3A_262[0] : i32 from vector<1xi32>
      %slice3A_264 = vector.extract_strided_slice %get3A_217 {offsets = [6], sizes = [1], strides = [1]} : vector<16xi32> to vector<1xi32>
      %squeeze3A_265 = vector.extract %slice3A_264[0] : i32 from vector<1xi32>
      %select_n3A_266 = arith.select %ne3A_261, %squeeze3A_263, %squeeze3A_265 : i32
      %ne3A_267 = arith.constant 0 : i32
      %ne3A_268 = arith.cmpi ne, %and3A_218, %ne3A_267 : i32
      %slice3A_269 = vector.extract_strided_slice %get3A_217 {offsets = [15], sizes = [1], strides = [1]} : vector<16xi32> to vector<1xi32>
      %squeeze3A_270 = vector.extract %slice3A_269[0] : i32 from vector<1xi32>
      %slice3A_271 = vector.extract_strided_slice %get3A_217 {offsets = [7], sizes = [1], strides = [1]} : vector<16xi32> to vector<1xi32>
      %squeeze3A_272 = vector.extract %slice3A_271[0] : i32 from vector<1xi32>
      %select_n3A_273 = arith.select %ne3A_268, %squeeze3A_270, %squeeze3A_272 : i32
      %dma_wait3A = arith.constant 0 : i32
      %dma_wait3A_274 = arith.constant 0 : i32
      %dma_wait3A_275 = arith.constant 0 : i32
      %dma_wait3A_276 = tpu.memref_slice %arg6[%rem3A_205, %dma_wait3A, %dma_wait3A_274, %dma_wait3A_275] : memref<2x8x32x128xf32, #tpu.memory_space<vmem>> -> memref<1x1x32x128xf32, #tpu.memory_space<vmem>>
      %dma_wait3A_277 = tpu.memref_squeeze %dma_wait3A_276 : memref<1x1x32x128xf32, #tpu.memory_space<vmem>> -> memref<32x128xf32, #tpu.memory_space<vmem>>
      %dma_wait3A_278 = arith.constant 0 : i32
      %dma_wait3A_279 = arith.constant 0 : i32
      %dma_wait3A_280 = tpu.memref_slice %arg3[%dma_wait3A_278, %dma_wait3A_279] : memref<32x1000000xf32, #tpu.memory_space<hbm>> -> memref<32x128xf32, #tpu.memory_space<hbm>>
      %dma_wait3A_281 = arith.constant 0 : i32
      %dma_wait3A_282 = arith.constant 0 : i32
      %dma_wait3A_283 = tpu.memref_slice %arg6[%rem3A_205, %dma_wait3A, %dma_wait3A_281, %dma_wait3A_282] : memref<2x8x32x128xf32, #tpu.memory_space<vmem>> -> memref<1x1x32x128xf32, #tpu.memory_space<vmem>>
      %dma_wait3A_284 = tpu.memref_squeeze %dma_wait3A_283 : memref<1x1x32x128xf32, #tpu.memory_space<vmem>> -> memref<32x128xf32, #tpu.memory_space<vmem>>
      %dma_wait3A_285 = arith.constant 0 : i32
      %dma_wait3A_286 = arith.constant 0 : i32
      %dma_wait3A_287 = tpu.memref_slice %arg3[%dma_wait3A_285, %dma_wait3A_286] : memref<32x1000000xf32, #tpu.memory_space<hbm>> -> memref<32x128xf32, #tpu.memory_space<hbm>>
      tpu.wait_dma2 semaphore(%arg8 : memref<!tpu.dma_semaphore, #tpu.memory_space<semaphore_mem>>) src(%dma_wait3A_287 : memref<32x128xf32, #tpu.memory_space<hbm>>) dst(%dma_wait3A_284 : memref<32x128xf32, #tpu.memory_space<vmem>>)
      %and3A_288 = arith.constant 127 : i32
      %and3A_289 = arith.andi %select_n3A_224, %and3A_288 : i32
      %broadcast_in_dim3A = vector.broadcast %and3A_289 : i32 to vector<16xi32>
      %broadcast_in_dim3A_290 = vector.broadcast %rem3A_205 : i32 to vector<16xi32>
      %broadcast_in_dim3A_291 = arith.constant 0 : i32
      %broadcast_in_dim3A_292 = vector.broadcast %broadcast_in_dim3A_291 : i32 to vector<16xi32>
      %add3A_293 = arith.constant 0 : i32
      %add3A_294 = arith.addi %mul3A_211, %add3A_293 : i32
      %broadcast_in_dim3A_295 = vector.broadcast %add3A_294 : i32 to vector<16xi32>
      %gather3A = tpu.vector_load_idx %arg6[%broadcast_in_dim3A_290, %broadcast_in_dim3A_292, %iota3A, %broadcast_in_dim3A] : memref<2x8x32x128xf32, #tpu.memory_space<vmem>>[vector<16xi32>, vector<16xi32>, vector<16xi32>, vector<16xi32>], vector<16xf32>,
      %gather3A_296 = tpu.vector_load_idx %arg6[%broadcast_in_dim3A_290, %broadcast_in_dim3A_292, %add3A_5, %broadcast_in_dim3A] : memref<2x8x32x128xf32, #tpu.memory_space<vmem>>[vector<16xi32>, vector<16xi32>, vector<16xi32>, vector<16xi32>], vector<16xf32>,
      tpu.vector_store_idx %arg7[%iota3A, %broadcast_in_dim3A_295], %gather3A : memref<32x512xf32, #tpu.memory_space<vmem>>[vector<16xi32>, vector<16xi32>], vector<16xf32>,
      tpu.vector_store_idx %arg7[%add3A_5, %broadcast_in_dim3A_295], %gather3A_296 : memref<32x512xf32, #tpu.memory_space<vmem>>[vector<16xi32>, vector<16xi32>], vector<16xf32>,
      %dma_wait3A_297 = arith.constant 1 : i32
      %dma_wait3A_298 = arith.constant 0 : i32
      %dma_wait3A_299 = arith.constant 0 : i32
      %dma_wait3A_300 = tpu.memref_slice %arg6[%rem3A_205, %dma_wait3A_297, %dma_wait3A_298, %dma_wait3A_299] : memref<2x8x32x128xf32, #tpu.memory_space<vmem>> -> memref<1x1x32x128xf32, #tpu.memory_space<vmem>>
      %dma_wait3A_301 = tpu.memref_squeeze %dma_wait3A_300 : memref<1x1x32x128xf32, #tpu.memory_space<vmem>> -> memref<32x128xf32, #tpu.memory_space<vmem>>
      %dma_wait3A_302 = arith.constant 0 : i32
      %dma_wait3A_303 = arith.constant 0 : i32
      %dma_wait3A_304 = tpu.memref_slice %arg3[%dma_wait3A_302, %dma_wait3A_303] : memref<32x1000000xf32, #tpu.memory_space<hbm>> -> memref<32x128xf32, #tpu.memory_space<hbm>>
      %dma_wait3A_305 = arith.constant 0 : i32
      %dma_wait3A_306 = arith.constant 0 : i32
      %dma_wait3A_307 = tpu.memref_slice %arg6[%rem3A_205, %dma_wait3A_297, %dma_wait3A_305, %dma_wait3A_306] : memref<2x8x32x128xf32, #tpu.memory_space<vmem>> -> memref<1x1x32x128xf32, #tpu.memory_space<vmem>>
      %dma_wait3A_308 = tpu.memref_squeeze %dma_wait3A_307 : memref<1x1x32x128xf32, #tpu.memory_space<vmem>> -> memref<32x128xf32, #tpu.memory_space<vmem>>
      %dma_wait3A_309 = arith.constant 0 : i32
      %dma_wait3A_310 = arith.constant 0 : i32
      %dma_wait3A_311 = tpu.memref_slice %arg3[%dma_wait3A_309, %dma_wait3A_310] : memref<32x1000000xf32, #tpu.memory_space<hbm>> -> memref<32x128xf32, #tpu.memory_space<hbm>>
      tpu.wait_dma2 semaphore(%arg8 : memref<!tpu.dma_semaphore, #tpu.memory_space<semaphore_mem>>) src(%dma_wait3A_311 : memref<32x128xf32, #tpu.memory_space<hbm>>) dst(%dma_wait3A_308 : memref<32x128xf32, #tpu.memory_space<vmem>>)
      %and3A_312 = arith.constant 127 : i32
      %and3A_313 = arith.andi %select_n3A_231, %and3A_312 : i32
      %broadcast_in_dim3A_314 = vector.broadcast %and3A_313 : i32 to vector<16xi32>
      %broadcast_in_dim3A_315 = vector.broadcast %rem3A_205 : i32 to vector<16xi32>
      %broadcast_in_dim3A_316 = arith.constant 1 : i32
      %broadcast_in_dim3A_317 = vector.broadcast %broadcast_in_dim3A_316 : i32 to vector<16xi32>
      %add3A_318 = arith.constant 1 : i32
      %add3A_319 = arith.addi %mul3A_211, %add3A_318 : i32
      %broadcast_in_dim3A_320 = vector.broadcast %add3A_319 : i32 to vector<16xi32>
      %gather3A_321 = tpu.vector_load_idx %arg6[%broadcast_in_dim3A_315, %broadcast_in_dim3A_317, %iota3A, %broadcast_in_dim3A_314] : memref<2x8x32x128xf32, #tpu.memory_space<vmem>>[vector<16xi32>, vector<16xi32>, vector<16xi32>, vector<16xi32>], vector<16xf32>,
      %gather3A_322 = tpu.vector_load_idx %arg6[%broadcast_in_dim3A_315, %broadcast_in_dim3A_317, %add3A_5, %broadcast_in_dim3A_314] : memref<2x8x32x128xf32, #tpu.memory_space<vmem>>[vector<16xi32>, vector<16xi32>, vector<16xi32>, vector<16xi32>], vector<16xf32>,
      tpu.vector_store_idx %arg7[%iota3A, %broadcast_in_dim3A_320], %gather3A_321 : memref<32x512xf32, #tpu.memory_space<vmem>>[vector<16xi32>, vector<16xi32>], vector<16xf32>,
      tpu.vector_store_idx %arg7[%add3A_5, %broadcast_in_dim3A_320], %gather3A_322 : memref<32x512xf32, #tpu.memory_space<vmem>>[vector<16xi32>, vector<16xi32>], vector<16xf32>,
      %dma_wait3A_323 = arith.constant 2 : i32
      %dma_wait3A_324 = arith.constant 0 : i32
      %dma_wait3A_325 = arith.constant 0 : i32
      %dma_wait3A_326 = tpu.memref_slice %arg6[%rem3A_205, %dma_wait3A_323, %dma_wait3A_324, %dma_wait3A_325] : memref<2x8x32x128xf32, #tpu.memory_space<vmem>> -> memref<1x1x32x128xf32, #tpu.memory_space<vmem>>
      %dma_wait3A_327 = tpu.memref_squeeze %dma_wait3A_326 : memref<1x1x32x128xf32, #tpu.memory_space<vmem>> -> memref<32x128xf32, #tpu.memory_space<vmem>>
      %dma_wait3A_328 = arith.constant 0 : i32
      %dma_wait3A_329 = arith.constant 0 : i32
      %dma_wait3A_330 = tpu.memref_slice %arg3[%dma_wait3A_328, %dma_wait3A_329] : memref<32x1000000xf32, #tpu.memory_space<hbm>> -> memref<32x128xf32, #tpu.memory_space<hbm>>
      %dma_wait3A_331 = arith.constant 0 : i32
      %dma_wait3A_332 = arith.constant 0 : i32
      %dma_wait3A_333 = tpu.memref_slice %arg6[%rem3A_205, %dma_wait3A_323, %dma_wait3A_331, %dma_wait3A_332] : memref<2x8x32x128xf32, #tpu.memory_space<vmem>> -> memref<1x1x32x128xf32, #tpu.memory_space<vmem>>
      %dma_wait3A_334 = tpu.memref_squeeze %dma_wait3A_333 : memref<1x1x32x128xf32, #tpu.memory_space<vmem>> -> memref<32x128xf32, #tpu.memory_space<vmem>>
      %dma_wait3A_335 = arith.constant 0 : i32
      %dma_wait3A_336 = arith.constant 0 : i32
      %dma_wait3A_337 = tpu.memref_slice %arg3[%dma_wait3A_335, %dma_wait3A_336] : memref<32x1000000xf32, #tpu.memory_space<hbm>> -> memref<32x128xf32, #tpu.memory_space<hbm>>
      tpu.wait_dma2 semaphore(%arg8 : memref<!tpu.dma_semaphore, #tpu.memory_space<semaphore_mem>>) src(%dma_wait3A_337 : memref<32x128xf32, #tpu.memory_space<hbm>>) dst(%dma_wait3A_334 : memref<32x128xf32, #tpu.memory_space<vmem>>)
      %and3A_338 = arith.constant 127 : i32
      %and3A_339 = arith.andi %select_n3A_238, %and3A_338 : i32
      %broadcast_in_dim3A_340 = vector.broadcast %and3A_339 : i32 to vector<16xi32>
      %broadcast_in_dim3A_341 = vector.broadcast %rem3A_205 : i32 to vector<16xi32>
      %broadcast_in_dim3A_342 = arith.constant 2 : i32
      %broadcast_in_dim3A_343 = vector.broadcast %broadcast_in_dim3A_342 : i32 to vector<16xi32>
      %add3A_344 = arith.constant 2 : i32
      %add3A_345 = arith.addi %mul3A_211, %add3A_344 : i32
      %broadcast_in_dim3A_346 = vector.broadcast %add3A_345 : i32 to vector<16xi32>
      %gather3A_347 = tpu.vector_load_idx %arg6[%broadcast_in_dim3A_341, %broadcast_in_dim3A_343, %iota3A, %broadcast_in_dim3A_340] : memref<2x8x32x128xf32, #tpu.memory_space<vmem>>[vector<16xi32>, vector<16xi32>, vector<16xi32>, vector<16xi32>], vector<16xf32>,
      %gather3A_348 = tpu.vector_load_idx %arg6[%broadcast_in_dim3A_341, %broadcast_in_dim3A_343, %add3A_5, %broadcast_in_dim3A_340] : memref<2x8x32x128xf32, #tpu.memory_space<vmem>>[vector<16xi32>, vector<16xi32>, vector<16xi32>, vector<16xi32>], vector<16xf32>,
      tpu.vector_store_idx %arg7[%iota3A, %broadcast_in_dim3A_346], %gather3A_347 : memref<32x512xf32, #tpu.memory_space<vmem>>[vector<16xi32>, vector<16xi32>], vector<16xf32>,
      tpu.vector_store_idx %arg7[%add3A_5, %broadcast_in_dim3A_346], %gather3A_348 : memref<32x512xf32, #tpu.memory_space<vmem>>[vector<16xi32>, vector<16xi32>], vector<16xf32>,
      %dma_wait3A_349 = arith.constant 3 : i32
      %dma_wait3A_350 = arith.constant 0 : i32
      %dma_wait3A_351 = arith.constant 0 : i32
      %dma_wait3A_352 = tpu.memref_slice %arg6[%rem3A_205, %dma_wait3A_349, %dma_wait3A_350, %dma_wait3A_351] : memref<2x8x32x128xf32, #tpu.memory_space<vmem>> -> memref<1x1x32x128xf32, #tpu.memory_space<vmem>>
      %dma_wait3A_353 = tpu.memref_squeeze %dma_wait3A_352 : memref<1x1x32x128xf32, #tpu.memory_space<vmem>> -> memref<32x128xf32, #tpu.memory_space<vmem>>
      %dma_wait3A_354 = arith.constant 0 : i32
      %dma_wait3A_355 = arith.constant 0 : i32
      %dma_wait3A_356 = tpu.memref_slice %arg3[%dma_wait3A_354, %dma_wait3A_355] : memref<32x1000000xf32, #tpu.memory_space<hbm>> -> memref<32x128xf32, #tpu.memory_space<hbm>>
      %dma_wait3A_357 = arith.constant 0 : i32
      %dma_wait3A_358 = arith.constant 0 : i32
      %dma_wait3A_359 = tpu.memref_slice %arg6[%rem3A_205, %dma_wait3A_349, %dma_wait3A_357, %dma_wait3A_358] : memref<2x8x32x128xf32, #tpu.memory_space<vmem>> -> memref<1x1x32x128xf32, #tpu.memory_space<vmem>>
      %dma_wait3A_360 = tpu.memref_squeeze %dma_wait3A_359 : memref<1x1x32x128xf32, #tpu.memory_space<vmem>> -> memref<32x128xf32, #tpu.memory_space<vmem>>
      %dma_wait3A_361 = arith.constant 0 : i32
      %dma_wait3A_362 = arith.constant 0 : i32
      %dma_wait3A_363 = tpu.memref_slice %arg3[%dma_wait3A_361, %dma_wait3A_362] : memref<32x1000000xf32, #tpu.memory_space<hbm>> -> memref<32x128xf32, #tpu.memory_space<hbm>>
      tpu.wait_dma2 semaphore(%arg8 : memref<!tpu.dma_semaphore, #tpu.memory_space<semaphore_mem>>) src(%dma_wait3A_363 : memref<32x128xf32, #tpu.memory_space<hbm>>) dst(%dma_wait3A_360 : memref<32x128xf32, #tpu.memory_space<vmem>>)
      %and3A_364 = arith.constant 127 : i32
      %and3A_365 = arith.andi %select_n3A_245, %and3A_364 : i32
      %broadcast_in_dim3A_366 = vector.broadcast %and3A_365 : i32 to vector<16xi32>
      %broadcast_in_dim3A_367 = vector.broadcast %rem3A_205 : i32 to vector<16xi32>
      %broadcast_in_dim3A_368 = arith.constant 3 : i32
      %broadcast_in_dim3A_369 = vector.broadcast %broadcast_in_dim3A_368 : i32 to vector<16xi32>
      %add3A_370 = arith.constant 3 : i32
      %add3A_371 = arith.addi %mul3A_211, %add3A_370 : i32
      %broadcast_in_dim3A_372 = vector.broadcast %add3A_371 : i32 to vector<16xi32>
      %gather3A_373 = tpu.vector_load_idx %arg6[%broadcast_in_dim3A_367, %broadcast_in_dim3A_369, %iota3A, %broadcast_in_dim3A_366] : memref<2x8x32x128xf32, #tpu.memory_space<vmem>>[vector<16xi32>, vector<16xi32>, vector<16xi32>, vector<16xi32>], vector<16xf32>,
      %gather3A_374 = tpu.vector_load_idx %arg6[%broadcast_in_dim3A_367, %broadcast_in_dim3A_369, %add3A_5, %broadcast_in_dim3A_366] : memref<2x8x32x128xf32, #tpu.memory_space<vmem>>[vector<16xi32>, vector<16xi32>, vector<16xi32>, vector<16xi32>], vector<16xf32>,
      tpu.vector_store_idx %arg7[%iota3A, %broadcast_in_dim3A_372], %gather3A_373 : memref<32x512xf32, #tpu.memory_space<vmem>>[vector<16xi32>, vector<16xi32>], vector<16xf32>,
      tpu.vector_store_idx %arg7[%add3A_5, %broadcast_in_dim3A_372], %gather3A_374 : memref<32x512xf32, #tpu.memory_space<vmem>>[vector<16xi32>, vector<16xi32>], vector<16xf32>,
      %dma_wait3A_375 = arith.constant 4 : i32
      %dma_wait3A_376 = arith.constant 0 : i32
      %dma_wait3A_377 = arith.constant 0 : i32
      %dma_wait3A_378 = tpu.memref_slice %arg6[%rem3A_205, %dma_wait3A_375, %dma_wait3A_376, %dma_wait3A_377] : memref<2x8x32x128xf32, #tpu.memory_space<vmem>> -> memref<1x1x32x128xf32, #tpu.memory_space<vmem>>
      %dma_wait3A_379 = tpu.memref_squeeze %dma_wait3A_378 : memref<1x1x32x128xf32, #tpu.memory_space<vmem>> -> memref<32x128xf32, #tpu.memory_space<vmem>>
      %dma_wait3A_380 = arith.constant 0 : i32
      %dma_wait3A_381 = arith.constant 0 : i32
      %dma_wait3A_382 = tpu.memref_slice %arg3[%dma_wait3A_380, %dma_wait3A_381] : memref<32x1000000xf32, #tpu.memory_space<hbm>> -> memref<32x128xf32, #tpu.memory_space<hbm>>
      %dma_wait3A_383 = arith.constant 0 : i32
      %dma_wait3A_384 = arith.constant 0 : i32
      %dma_wait3A_385 = tpu.memref_slice %arg6[%rem3A_205, %dma_wait3A_375, %dma_wait3A_383, %dma_wait3A_384] : memref<2x8x32x128xf32, #tpu.memory_space<vmem>> -> memref<1x1x32x128xf32, #tpu.memory_space<vmem>>
      %dma_wait3A_386 = tpu.memref_squeeze %dma_wait3A_385 : memref<1x1x32x128xf32, #tpu.memory_space<vmem>> -> memref<32x128xf32, #tpu.memory_space<vmem>>
      %dma_wait3A_387 = arith.constant 0 : i32
      %dma_wait3A_388 = arith.constant 0 : i32
      %dma_wait3A_389 = tpu.memref_slice %arg3[%dma_wait3A_387, %dma_wait3A_388] : memref<32x1000000xf32, #tpu.memory_space<hbm>> -> memref<32x128xf32, #tpu.memory_space<hbm>>
      tpu.wait_dma2 semaphore(%arg8 : memref<!tpu.dma_semaphore, #tpu.memory_space<semaphore_mem>>) src(%dma_wait3A_389 : memref<32x128xf32, #tpu.memory_space<hbm>>) dst(%dma_wait3A_386 : memref<32x128xf32, #tpu.memory_space<vmem>>)
      %and3A_390 = arith.constant 127 : i32
      %and3A_391 = arith.andi %select_n3A_252, %and3A_390 : i32
      %broadcast_in_dim3A_392 = vector.broadcast %and3A_391 : i32 to vector<16xi32>
      %broadcast_in_dim3A_393 = vector.broadcast %rem3A_205 : i32 to vector<16xi32>
      %broadcast_in_dim3A_394 = arith.constant 4 : i32
      %broadcast_in_dim3A_395 = vector.broadcast %broadcast_in_dim3A_394 : i32 to vector<16xi32>
      %add3A_396 = arith.constant 4 : i32
      %add3A_397 = arith.addi %mul3A_211, %add3A_396 : i32
      %broadcast_in_dim3A_398 = vector.broadcast %add3A_397 : i32 to vector<16xi32>
      %gather3A_399 = tpu.vector_load_idx %arg6[%broadcast_in_dim3A_393, %broadcast_in_dim3A_395, %iota3A, %broadcast_in_dim3A_392] : memref<2x8x32x128xf32, #tpu.memory_space<vmem>>[vector<16xi32>, vector<16xi32>, vector<16xi32>, vector<16xi32>], vector<16xf32>,
      %gather3A_400 = tpu.vector_load_idx %arg6[%broadcast_in_dim3A_393, %broadcast_in_dim3A_395, %add3A_5, %broadcast_in_dim3A_392] : memref<2x8x32x128xf32, #tpu.memory_space<vmem>>[vector<16xi32>, vector<16xi32>, vector<16xi32>, vector<16xi32>], vector<16xf32>,
      tpu.vector_store_idx %arg7[%iota3A, %broadcast_in_dim3A_398], %gather3A_399 : memref<32x512xf32, #tpu.memory_space<vmem>>[vector<16xi32>, vector<16xi32>], vector<16xf32>,
      tpu.vector_store_idx %arg7[%add3A_5, %broadcast_in_dim3A_398], %gather3A_400 : memref<32x512xf32, #tpu.memory_space<vmem>>[vector<16xi32>, vector<16xi32>], vector<16xf32>,
      %dma_wait3A_401 = arith.constant 5 : i32
      %dma_wait3A_402 = arith.constant 0 : i32
      %dma_wait3A_403 = arith.constant 0 : i32
      %dma_wait3A_404 = tpu.memref_slice %arg6[%rem3A_205, %dma_wait3A_401, %dma_wait3A_402, %dma_wait3A_403] : memref<2x8x32x128xf32, #tpu.memory_space<vmem>> -> memref<1x1x32x128xf32, #tpu.memory_space<vmem>>
      %dma_wait3A_405 = tpu.memref_squeeze %dma_wait3A_404 : memref<1x1x32x128xf32, #tpu.memory_space<vmem>> -> memref<32x128xf32, #tpu.memory_space<vmem>>
      %dma_wait3A_406 = arith.constant 0 : i32
      %dma_wait3A_407 = arith.constant 0 : i32
      %dma_wait3A_408 = tpu.memref_slice %arg3[%dma_wait3A_406, %dma_wait3A_407] : memref<32x1000000xf32, #tpu.memory_space<hbm>> -> memref<32x128xf32, #tpu.memory_space<hbm>>
      %dma_wait3A_409 = arith.constant 0 : i32
      %dma_wait3A_410 = arith.constant 0 : i32
      %dma_wait3A_411 = tpu.memref_slice %arg6[%rem3A_205, %dma_wait3A_401, %dma_wait3A_409, %dma_wait3A_410] : memref<2x8x32x128xf32, #tpu.memory_space<vmem>> -> memref<1x1x32x128xf32, #tpu.memory_space<vmem>>
      %dma_wait3A_412 = tpu.memref_squeeze %dma_wait3A_411 : memref<1x1x32x128xf32, #tpu.memory_space<vmem>> -> memref<32x128xf32, #tpu.memory_space<vmem>>
      %dma_wait3A_413 = arith.constant 0 : i32
      %dma_wait3A_414 = arith.constant 0 : i32
      %dma_wait3A_415 = tpu.memref_slice %arg3[%dma_wait3A_413, %dma_wait3A_414] : memref<32x1000000xf32, #tpu.memory_space<hbm>> -> memref<32x128xf32, #tpu.memory_space<hbm>>
      tpu.wait_dma2 semaphore(%arg8 : memref<!tpu.dma_semaphore, #tpu.memory_space<semaphore_mem>>) src(%dma_wait3A_415 : memref<32x128xf32, #tpu.memory_space<hbm>>) dst(%dma_wait3A_412 : memref<32x128xf32, #tpu.memory_space<vmem>>)
      %and3A_416 = arith.constant 127 : i32
      %and3A_417 = arith.andi %select_n3A_259, %and3A_416 : i32
      %broadcast_in_dim3A_418 = vector.broadcast %and3A_417 : i32 to vector<16xi32>
      %broadcast_in_dim3A_419 = vector.broadcast %rem3A_205 : i32 to vector<16xi32>
      %broadcast_in_dim3A_420 = arith.constant 5 : i32
      %broadcast_in_dim3A_421 = vector.broadcast %broadcast_in_dim3A_420 : i32 to vector<16xi32>
      %add3A_422 = arith.constant 5 : i32
      %add3A_423 = arith.addi %mul3A_211, %add3A_422 : i32
      %broadcast_in_dim3A_424 = vector.broadcast %add3A_423 : i32 to vector<16xi32>
      %gather3A_425 = tpu.vector_load_idx %arg6[%broadcast_in_dim3A_419, %broadcast_in_dim3A_421, %iota3A, %broadcast_in_dim3A_418] : memref<2x8x32x128xf32, #tpu.memory_space<vmem>>[vector<16xi32>, vector<16xi32>, vector<16xi32>, vector<16xi32>], vector<16xf32>,
      %gather3A_426 = tpu.vector_load_idx %arg6[%broadcast_in_dim3A_419, %broadcast_in_dim3A_421, %add3A_5, %broadcast_in_dim3A_418] : memref<2x8x32x128xf32, #tpu.memory_space<vmem>>[vector<16xi32>, vector<16xi32>, vector<16xi32>, vector<16xi32>], vector<16xf32>,
      tpu.vector_store_idx %arg7[%iota3A, %broadcast_in_dim3A_424], %gather3A_425 : memref<32x512xf32, #tpu.memory_space<vmem>>[vector<16xi32>, vector<16xi32>], vector<16xf32>,
      tpu.vector_store_idx %arg7[%add3A_5, %broadcast_in_dim3A_424], %gather3A_426 : memref<32x512xf32, #tpu.memory_space<vmem>>[vector<16xi32>, vector<16xi32>], vector<16xf32>,
      %dma_wait3A_427 = arith.constant 6 : i32
      %dma_wait3A_428 = arith.constant 0 : i32
      %dma_wait3A_429 = arith.constant 0 : i32
      %dma_wait3A_430 = tpu.memref_slice %arg6[%rem3A_205, %dma_wait3A_427, %dma_wait3A_428, %dma_wait3A_429] : memref<2x8x32x128xf32, #tpu.memory_space<vmem>> -> memref<1x1x32x128xf32, #tpu.memory_space<vmem>>
      %dma_wait3A_431 = tpu.memref_squeeze %dma_wait3A_430 : memref<1x1x32x128xf32, #tpu.memory_space<vmem>> -> memref<32x128xf32, #tpu.memory_space<vmem>>
      %dma_wait3A_432 = arith.constant 0 : i32
      %dma_wait3A_433 = arith.constant 0 : i32
      %dma_wait3A_434 = tpu.memref_slice %arg3[%dma_wait3A_432, %dma_wait3A_433] : memref<32x1000000xf32, #tpu.memory_space<hbm>> -> memref<32x128xf32, #tpu.memory_space<hbm>>
      %dma_wait3A_435 = arith.constant 0 : i32
      %dma_wait3A_436 = arith.constant 0 : i32
      %dma_wait3A_437 = tpu.memref_slice %arg6[%rem3A_205, %dma_wait3A_427, %dma_wait3A_435, %dma_wait3A_436] : memref<2x8x32x128xf32, #tpu.memory_space<vmem>> -> memref<1x1x32x128xf32, #tpu.memory_space<vmem>>
      %dma_wait3A_438 = tpu.memref_squeeze %dma_wait3A_437 : memref<1x1x32x128xf32, #tpu.memory_space<vmem>> -> memref<32x128xf32, #tpu.memory_space<vmem>>
      %dma_wait3A_439 = arith.constant 0 : i32
      %dma_wait3A_440 = arith.constant 0 : i32
      %dma_wait3A_441 = tpu.memref_slice %arg3[%dma_wait3A_439, %dma_wait3A_440] : memref<32x1000000xf32, #tpu.memory_space<hbm>> -> memref<32x128xf32, #tpu.memory_space<hbm>>
      tpu.wait_dma2 semaphore(%arg8 : memref<!tpu.dma_semaphore, #tpu.memory_space<semaphore_mem>>) src(%dma_wait3A_441 : memref<32x128xf32, #tpu.memory_space<hbm>>) dst(%dma_wait3A_438 : memref<32x128xf32, #tpu.memory_space<vmem>>)
      %and3A_442 = arith.constant 127 : i32
      %and3A_443 = arith.andi %select_n3A_266, %and3A_442 : i32
      %broadcast_in_dim3A_444 = vector.broadcast %and3A_443 : i32 to vector<16xi32>
      %broadcast_in_dim3A_445 = vector.broadcast %rem3A_205 : i32 to vector<16xi32>
      %broadcast_in_dim3A_446 = arith.constant 6 : i32
      %broadcast_in_dim3A_447 = vector.broadcast %broadcast_in_dim3A_446 : i32 to vector<16xi32>
      %add3A_448 = arith.constant 6 : i32
      %add3A_449 = arith.addi %mul3A_211, %add3A_448 : i32
      %broadcast_in_dim3A_450 = vector.broadcast %add3A_449 : i32 to vector<16xi32>
      %gather3A_451 = tpu.vector_load_idx %arg6[%broadcast_in_dim3A_445, %broadcast_in_dim3A_447, %iota3A, %broadcast_in_dim3A_444] : memref<2x8x32x128xf32, #tpu.memory_space<vmem>>[vector<16xi32>, vector<16xi32>, vector<16xi32>, vector<16xi32>], vector<16xf32>,
      %gather3A_452 = tpu.vector_load_idx %arg6[%broadcast_in_dim3A_445, %broadcast_in_dim3A_447, %add3A_5, %broadcast_in_dim3A_444] : memref<2x8x32x128xf32, #tpu.memory_space<vmem>>[vector<16xi32>, vector<16xi32>, vector<16xi32>, vector<16xi32>], vector<16xf32>,
      tpu.vector_store_idx %arg7[%iota3A, %broadcast_in_dim3A_450], %gather3A_451 : memref<32x512xf32, #tpu.memory_space<vmem>>[vector<16xi32>, vector<16xi32>], vector<16xf32>,
      tpu.vector_store_idx %arg7[%add3A_5, %broadcast_in_dim3A_450], %gather3A_452 : memref<32x512xf32, #tpu.memory_space<vmem>>[vector<16xi32>, vector<16xi32>], vector<16xf32>,
      %dma_wait3A_453 = arith.constant 7 : i32
      %dma_wait3A_454 = arith.constant 0 : i32
      %dma_wait3A_455 = arith.constant 0 : i32
      %dma_wait3A_456 = tpu.memref_slice %arg6[%rem3A_205, %dma_wait3A_453, %dma_wait3A_454, %dma_wait3A_455] : memref<2x8x32x128xf32, #tpu.memory_space<vmem>> -> memref<1x1x32x128xf32, #tpu.memory_space<vmem>>
      %dma_wait3A_457 = tpu.memref_squeeze %dma_wait3A_456 : memref<1x1x32x128xf32, #tpu.memory_space<vmem>> -> memref<32x128xf32, #tpu.memory_space<vmem>>
      %dma_wait3A_458 = arith.constant 0 : i32
      %dma_wait3A_459 = arith.constant 0 : i32
      %dma_wait3A_460 = tpu.memref_slice %arg3[%dma_wait3A_458, %dma_wait3A_459] : memref<32x1000000xf32, #tpu.memory_space<hbm>> -> memref<32x128xf32, #tpu.memory_space<hbm>>
      %dma_wait3A_461 = arith.constant 0 : i32
      %dma_wait3A_462 = arith.constant 0 : i32
      %dma_wait3A_463 = tpu.memref_slice %arg6[%rem3A_205, %dma_wait3A_453, %dma_wait3A_461, %dma_wait3A_462] : memref<2x8x32x128xf32, #tpu.memory_space<vmem>> -> memref<1x1x32x128xf32, #tpu.memory_space<vmem>>
      %dma_wait3A_464 = tpu.memref_squeeze %dma_wait3A_463 : memref<1x1x32x128xf32, #tpu.memory_space<vmem>> -> memref<32x128xf32, #tpu.memory_space<vmem>>
      %dma_wait3A_465 = arith.constant 0 : i32
      %dma_wait3A_466 = arith.constant 0 : i32
      %dma_wait3A_467 = tpu.memref_slice %arg3[%dma_wait3A_465, %dma_wait3A_466] : memref<32x1000000xf32, #tpu.memory_space<hbm>> -> memref<32x128xf32, #tpu.memory_space<hbm>>
      tpu.wait_dma2 semaphore(%arg8 : memref<!tpu.dma_semaphore, #tpu.memory_space<semaphore_mem>>) src(%dma_wait3A_467 : memref<32x128xf32, #tpu.memory_space<hbm>>) dst(%dma_wait3A_464 : memref<32x128xf32, #tpu.memory_space<vmem>>)
      %and3A_468 = arith.constant 127 : i32
      %and3A_469 = arith.andi %select_n3A_273, %and3A_468 : i32
      %broadcast_in_dim3A_470 = vector.broadcast %and3A_469 : i32 to vector<16xi32>
      %broadcast_in_dim3A_471 = vector.broadcast %rem3A_205 : i32 to vector<16xi32>
      %broadcast_in_dim3A_472 = arith.constant 7 : i32
      %broadcast_in_dim3A_473 = vector.broadcast %broadcast_in_dim3A_472 : i32 to vector<16xi32>
      %add3A_474 = arith.constant 7 : i32
      %add3A_475 = arith.addi %mul3A_211, %add3A_474 : i32
      %broadcast_in_dim3A_476 = vector.broadcast %add3A_475 : i32 to vector<16xi32>
      %gather3A_477 = tpu.vector_load_idx %arg6[%broadcast_in_dim3A_471, %broadcast_in_dim3A_473, %iota3A, %broadcast_in_dim3A_470] : memref<2x8x32x128xf32, #tpu.memory_space<vmem>>[vector<16xi32>, vector<16xi32>, vector<16xi32>, vector<16xi32>], vector<16xf32>,
      %gather3A_478 = tpu.vector_load_idx %arg6[%broadcast_in_dim3A_471, %broadcast_in_dim3A_473, %add3A_5, %broadcast_in_dim3A_470] : memref<2x8x32x128xf32, #tpu.memory_space<vmem>>[vector<16xi32>, vector<16xi32>, vector<16xi32>, vector<16xi32>], vector<16xf32>,
      tpu.vector_store_idx %arg7[%iota3A, %broadcast_in_dim3A_476], %gather3A_477 : memref<32x512xf32, #tpu.memory_space<vmem>>[vector<16xi32>, vector<16xi32>], vector<16xf32>,
      tpu.vector_store_idx %arg7[%add3A_5, %broadcast_in_dim3A_476], %gather3A_478 : memref<32x512xf32, #tpu.memory_space<vmem>>[vector<16xi32>, vector<16xi32>], vector<16xf32>,
    }
    %scan3A_203 = arith.constant 64 : i32
    "tpu.region"() ({
      %run_scoped3A = tpu.sem_alloc : memref<!tpu.dma_semaphore, #tpu.memory_space<semaphore_mem>>
      %dma_start3A_204 = arith.constant 0 : i32
      %dma_start3A_205 = tpu.memref_slice %arg4[%dma_start3A_204, %mul3A_2] : memref<32x16384xf32, #tpu.memory_space<hbm>> -> memref<32x512xf32, #tpu.memory_space<hbm>>
      %dma_start3A_206 = arith.constant 0 : i32
      %dma_start3A_207 = tpu.memref_slice %arg4[%dma_start3A_206, %mul3A_2] : memref<32x16384xf32, #tpu.memory_space<hbm>> -> memref<32x512xf32, #tpu.memory_space<hbm>>
      tpu.enqueue_dma source(%arg7 : memref<32x512xf32, #tpu.memory_space<vmem>>) target(%dma_start3A_207 : memref<32x512xf32, #tpu.memory_space<hbm>>) target_semaphore(%run_scoped3A : memref<!tpu.dma_semaphore, #tpu.memory_space<semaphore_mem>>)
      %dma_wait3A = arith.constant 0 : i32
      %dma_wait3A_208 = tpu.memref_slice %arg4[%dma_wait3A, %mul3A_2] : memref<32x16384xf32, #tpu.memory_space<hbm>> -> memref<32x512xf32, #tpu.memory_space<hbm>>
      %dma_wait3A_209 = arith.constant 0 : i32
      %dma_wait3A_210 = tpu.memref_slice %arg4[%dma_wait3A_209, %mul3A_2] : memref<32x16384xf32, #tpu.memory_space<hbm>> -> memref<32x512xf32, #tpu.memory_space<hbm>>
      tpu.wait_dma2 semaphore(%run_scoped3A : memref<!tpu.dma_semaphore, #tpu.memory_space<semaphore_mem>>) src(%arg7 : memref<32x512xf32, #tpu.memory_space<vmem>>) dst(%dma_wait3A_210 : memref<32x512xf32, #tpu.memory_space<hbm>>)
      tpu.yield
    }) : () -> ()
    return
  }
}

</mosaic_0001>

<sc_bundles>
// kernel: kernel.3.cloned.1.call-start
scs
__scs_entry_jumppad:
0x0: {  	(pc) =	sbr.rel $0x88, $3  }
0x1: {  	(tag) =	ssettag $0x0;
	lr =	simm.s32 $0x1  }
0x2: {  	[smem:$0x3F9F] =	sst lr;
	_ =	strace $0xD0000000  }
0x3: {  	_ = 	snop  }
0x4: {  	_ = 	snop  }
0x5: {  	_ = 	snop  }
0x6: {  	_ = 	snop  }
0x7: {  	_ = 	snop  }
__scs_overlays_trampoline_lowered:
0x8: {  	[smem:$0x3FAE] =	sst s0  }
0x9: {  	[smem:$0x3FAF] =	sst s1  }
0xa: {  	[smem:$0x3FB0] =	sst s2  }
0xb: {  	[smem:$0x3FB1] =	sst s3  }
0xc: {  	[smem:$0x3FB2] =	sst s4  }
0xd: {  	[smem:$0x3FB3] =	sst s5  }
0xe: {  	[smem:$0x3FB4] =	sst s6  }
0xf: {  	[smem:$0x3FB5] =	sst s7  }
0x10: {  	[smem:$0x3FB6] =	sst s8  }
0x11: {  	[smem:$0x3FB7] =	sst s9;
	s0 =	simm.s32 @!p0 $0x0  }
0x12: {  	s1 =	sld [smem:$0x3F9D];
	s0 =	simm.s32 @p0 $0x1  }
0x13: {  	[smem:$0x3FB8] =	sst s0;
	s0 =	simm.s32 @!p1 $0x0  }
0x14: {  	s2 =	sld [smem:$0x3F9C];
	s0 =	simm.s32 @p1 $0x1  }
0x15: {  	[smem:$0x3FB9] =	sst s0;
	s0 =	simm.s32 @!p2 $0x0  }
0x16: {  	s3 =	sld [smem:$0x3FDB];
	s0 =	simm.s32 @p2 $0x1  }
0x17: {  	s4 =	simm.s32 $0x1BF5;
	[smem:$0x3FBB] =	sst s0  }
0x18: {  	s0 =	sld [smem:$0x3F9E];
	_ =	swait.ge [sflag:s4], $0x0  }
0x19: {  	s7 =	sld [smem:$0x3F9F]  }
0x1a: {  	s8 =	sadd.s32 $0xFFFFE003, lr  }
0x1b: {  	s9 =	sadd.s32 $0xFFFFFEF7, lr;
	s5 =	simm.s32 $0xFFFFFFFF;
	p2 =	slt.u32 s8, $0xFFFFF086  }
0x1c: {  	p1 =	slt.u32 s9, $0xF7A;
	s5 =	simm.s32 @!p2 $0x0  }
0x1d: {  	s5 =	simm.s32 @p1 $0x1;
	p0 =	seq.s32 s7, s2  }
0x1e: {  	s7 =	smul.u32 @!p0 $0xF7A, s2;
	p2 =	seq.s32 @!p0 s5, $0x0  }
0x1f: {  	s9 =	smul.u32 $0xF7A, s1;
	s8 =	simm.s32 @!p0 $0x1BF5;
	p2 =	por !p2, p0  }
0x20: {  	[sflag:s8] =	ssyncset.s32 @!p0 $0xFFFFF086;
	s6 =	sadd.s32 @!p0 s3, s7;
	s7 =	simm.s32 @!p0 $0x108  }
0x21: {  	s3 =	sadd.s32 s3, s9;
	s6 =	sadd.s32 @!p0 $0x88, s6;
	s7 =	simm.s32 @p2 $0x1082  }
0x22: {  	[simem:s7], [sflag:s8] =	dma.local @!p0 [hbm:s6], $0xF7A  }
0x23: {  	s9 =	sor.u32 $0xD0000000, s2;
	s6 =	simm.s32 $0x108;
	_ =	swait.ge @!p0 [sflag:s8], $0x0  }
0x24: {  	s3 =	sadd.s32 $0x88, s3;
	s6 =	simm.s32 @!p1 $0x1082;
	[sflag:s4] =	ssyncset.s32 $0xFFFFF086  }
0x25: {  	[simem:s6], [sflag:s4] =	dma.local [hbm:s3], $0xF7A  }
0x26: {  	[smem:$0x3F9F] =	sst s1;
	(tag) =	ssettag s2;
	_ =	strace s9  }
0x27: {  	s1 =	sld [smem:$0x3FAF]  }
0x28: {  	s2 =	sld [smem:$0x3FB0]  }
0x29: {  	s4 =	sld [smem:$0x3FB2]  }
0x2a: {  	p0 =	seq.s32 s5, $0x0;
	s5 =	sld [smem:$0x3FB3]  }
0x2b: {  	s6 =	sld [smem:$0x3FB4]  }
0x2c: {  	s7 =	sld [smem:$0x3FB5]  }
0x2d: {  	s3 =	simm.s32 $0x108;
	s8 =	sld [smem:$0x3FB6]  }
0x2e: {  	s3 =	simm.s32 @!p0 $0x1082;
	s9 =	sld [smem:$0x3FB7]  }
0x2f: {  	lr =	sadd.s32 s0, s3;
	s0 =	sld [smem:$0x3FAE]  }
0x30: {  	s3 =	sld [smem:$0x3FB1]  }
0x31: {  	[smem:$0x3FBA] =	sst s10  }
0x32: {  	s10 =	sld [smem:$0x3FB8];
	_ =	sdelay $0x3  }
0x33: {  	p0 =	seq.s32 s10, $0x1;
	s10 =	sld [smem:$0x3FBA];
	_ =	sdelay $0x3  }
0x34: {  	[smem:$0x3FBA] =	sst s10  }
0x35: {  	s10 =	sld [smem:$0x3FB9];
	_ =	sdelay $0x3  }
0x36: {  	p1 =	seq.s32 s10, $0x1;
	s10 =	sld [smem:$0x3FBA];
	_ =	sdelay $0x3  }
0x37: {  	[smem:$0x3FBA] =	sst s10  }
0x38: {  	s10 =	sld [smem:$0x3FBB]  }
0x39: {  	_ = 	snop;
	(pc) =	sbr.ind lr, $3  }
0x3a: {  	_ = 	snop  }
0x3b: {  	_ = 	snop  }
0x3c: {  	p2 =	seq.s32 s10, $0x1;
	s10 =	sld [smem:$0x3FBA]  }
0x3d: {  	_ =	shalt  }
0x3e: {  	_ =	shalt  }
0x3f: {  	_ =	shalt  }
0x40: {  	_ =	shalt  }
0x41: {  	_ =	shalt  }
0x42: {  	_ =	shalt  }
0x43: {  	_ =	shalt  }
0x44: {  	_ =	shalt  }
0x45: {  	_ =	shalt  }
0x46: {  	_ =	shalt  }
0x47: {  	_ =	shalt  }
0x48: {  	_ =	shalt  }
0x49: {  	_ =	shalt  }
0x4a: {  	_ =	shalt  }
0x4b: {  	_ =	shalt  }
0x4c: {  	_ =	shalt  }
0x4d: {  	_ =	shalt  }
0x4e: {  	_ =	shalt  }
0x4f: {  	_ =	shalt  }
0x50: {  	_ =	shalt  }
0x51: {  	_ =	shalt  }
0x52: {  	_ =	shalt  }
0x53: {  	_ =	shalt  }
0x54: {  	_ =	shalt  }
0x55: {  	_ =	shalt  }
0x56: {  	_ =	shalt  }
0x57: {  	_ =	shalt  }
0x58: {  	_ =	shalt  }
0x59: {  	_ =	shalt  }
0x5a: {  	_ =	shalt  }
0x5b: {  	_ =	shalt  }
0x5c: {  	_ =	shalt  }
0x5d: {  	_ =	shalt  }
0x5e: {  	_ =	shalt  }
0x5f: {  	_ =	shalt  }
0x60: {  	_ =	shalt  }
0x61: {  	_ =	shalt  }
0x62: {  	_ =	shalt  }
0x63: {  	_ =	shalt  }
0x64: {  	_ =	shalt  }
0x65: {  	_ =	shalt  }
0x66: {  	_ =	shalt  }
0x67: {  	_ =	shalt  }
0x68: {  	_ =	shalt  }
0x69: {  	_ =	shalt  }
0x6a: {  	_ =	shalt  }
0x6b: {  	_ =	shalt  }
0x6c: {  	_ =	shalt  }
0x6d: {  	_ =	shalt  }
0x6e: {  	_ =	shalt  }
0x6f: {  	_ =	shalt  }
0x70: {  	_ =	shalt  }
0x71: {  	_ =	shalt  }
0x72: {  	_ =	shalt  }
0x73: {  	_ =	shalt  }
0x74: {  	_ =	shalt  }
0x75: {  	_ =	shalt  }
0x76: {  	_ =	shalt  }
0x77: {  	_ =	shalt  }
0x78: {  	_ =	shalt  }
0x79: {  	_ =	shalt  }
0x7a: {  	_ =	shalt  }
0x7b: {  	_ =	shalt  }
0x7c: {  	_ =	shalt  }
0x7d: {  	_ =	shalt  }
0x7e: {  	_ =	shalt  }
0x7f: {  	_ =	shalt  }
0x80: {  	_ =	shalt  }
0x81: {  	_ =	shalt  }
0x82: {  	_ =	shalt  }
0x83: {  	_ =	shalt  }
0x84: {  	_ =	shalt  }
0x85: {  	_ =	shalt  }
0x86: {  	_ =	shalt  }
0x87: {  	_ =	shalt  }
.Lfunc_end0:
.L_simem_size_0:
called_computation_lowered:
.L_overlay_start_0:
0x88: {  	s2 =	sld [smem:$0x3FD9]  }
0x89: {  	s3 =	sld [smem:$0x3FFE];
	_ =	sdelay $0x1  }
0x8a: {  	s1 =	srdreg.scid  }
0x8b: {  	s0 =	sand.u32 $0x1, s1  }
0x8c: {  	s18 =	sshll.u32 s0, $0xA;
	s2 =	sadd.s32 s3, s2  }
0x8d: {  	s2 =	sadd.s32 s2, s18  }
0x8e: {  	[smem:$0x3FC6] =	sst s2  }
0x8f: {  	_ = 	snop  }
0x90: {  	s2 =	sld [smem:$0x3FC9]  }
0x91: {  	s19 =	sld [smem:$0x3FC8]  }
0x92: {  	s4 =	sld [smem:$0x3FD0];
	(tm) =	ssettm $0x1  }
0x93: {  	s5 =	sld [smem:$0x3FFB];
	_ =	sdelay $0x3  }
0x94: {  	_ =	strace s5  }
0x95: {  	s5 =	sld [smem:$0x3FFC];
	_ =	sdelay $0x3  }
0x96: {  	_ =	strace s5  }
0x97: {  	s5 =	sld [smem:$0x3FFD];
	_ =	sdelay $0x3  }
0x98: {  	_ =	strace s5  }
0x99: {  	_ =	strace $0x8FFFFFFF  }
0x9a: {  	s20 =	sld [smem:$0x3FDB];
	_ =	sdelay $0x1  }
0x9b: {  	s6 =	simm.s32 $_scs_section_size  }
0x9c: {  	s7 =	simm.s32 $_size__tile_overlayer_lowered;
	s8 =	simm.s32 $_tile_overlayer_lowered  }
0x9d: {  	s23 =	simm.s32 $0x1BFF;
	s22 =	sshll.u32 s8, $0x1;
	s5 =	sadd.s32 s6, s20  }
0x9e: {  	s9 =	simm.s32 $0x0;
	s21 =	sshll.u32 s7, $0x1;
	s7 =	sadd.s32 s22, s5  }
0x9f: {  	[timem:s9], [sflag:s23] =	dma.local [hbm:s7], s21  }
0xa0: {  	_ =	swait.ge [sflag:s23], s21  }
0xa1: {  	s6 =	ssub.s32 $0x0, s21;
	[sflag:s23] =	ssyncset.done $0x0  }
0xa2: {  	[sflag:s23] =	ssyncadd.s32 s6;
	_ =	sdelay $0x1  }
0xa3: {  	s24 =	simm.s32 $0x1B8B  }
0xa4: {  	_ =	swait.ge [sflag:s24], $0x1  }
0xa5: {  	[sflag:s24] =	ssyncset.done $0x0  }
0xa6: {  	s25 =	simm.s32 $0x1B8E;
	[sflag:s24] =	ssyncadd.s32 $0xFFFFFFFF  }
0xa7: {  	s26 =	simm.s32 $execute0_lowered;
	[smem:$0x3FD2] =	sst s25  }
0xa8: {  	s6 =	sshll.u32 s26, $0x1;
	_ =	strace $0x80000046;
	[dreg:$0x1] =	wrdreg $0xFFFFFFFF  }
0xa9: {  	s28 =	simm.s32 $_size_execute0_lowered;
	s5 =	sadd.s32 s5, s6;
	[dreg:$0x0] =	wrdreg $0x0  }
0xaa: {  	s6 =	sshll.u32 s28, $0x1;
	[dreg:$0x2] =	wrdreg s5  }
0xab: {  	[dreg:$0x3] =	wrdreg s6  }
0xac: {  	[dreg:$0x4] =	wrdreg $0xC0  }
0xad: {  	_ =	task [dreg:s9], $0x5FFFF  }
0xae: {  	[dreg:$0x1] =	wrdreg $0xFFFFFFFF  }
0xaf: {  	[dreg:$0x0] =	wrdreg $0x60  }
0xb0: {  	[dreg:$0x2] =	wrdreg s2  }
0xb1: {  	[dreg:$0x3] =	wrdreg s19  }
0xb2: {  	[dreg:$0x4] =	wrdreg s4  }
0xb3: {  	[dreg:$0x5] =	wrdreg $0x9  }
0xb4: {  	_ =	task.clear_ibuf [dreg:s9], $0x6FFFF;
	_ =	strace $0x90000046  }
0xb5: {  	s29 =	simm.s32 $0x9;
	_ =	strace $0x80000048  }
0xb6: {  	_ =	swait.ge [sflag:s29], $0x1  }
0xb7: {  	[sflag:s29] =	ssyncadd.s32 $0xFFFFFFFF  }
0xb8: {  	_ =	strace $0x90000048  }
0xb9: {  	_ =	sfence  }
0xba: {  	s30 =	sld [smem:$0x0];
	_ =	sdelay $0x2  }
0xbb: {  	s31 =	sshll.u32 s1, $0xD;
	s1 =	sshrl.u32 s1, $0x2  }
0xbc: {  	s3 =	sand.u32 $0x4000, s31;
	s1 =	sadd.s32 s1, s30  }
0xbd: {  	s0 =	sor.u32 s3, s0;
	s1 =	sshll.u32 s1, $0x11  }
0xbe: {  	s0 =	sor.u32 s1, s0  }
0xbf: {  	s0 =	sadd.s32 $0x8F2B, s0  }
0xc0: {  	[sflag:s0] =	ssyncadd.remote.s32 $0x1  }
0xc1: {  	_ =	sfence.sel $0xFFFF  }
0xc2: {  	[dreg:$0x0] =	wrdreg $0xFFFFFFFF;
	(pc) =	sbr.abs _section_cstart, $3  }
0xc3: {  	[dreg:$0x1] =	wrdreg $0xFFFFFFFF  }
0xc4: {  	_ =	task.clear_ibuf [dreg:s9], $0x2FFFF;
	_ =	strace $0x9FFFFFFF  }
0xc5: {  	(tm) =	ssettm $0x7FFFFFFF  }
tec
execute0_lowered:
.L_overlay_start_1:
0x0: {  	(tag) =	ssettag $0x1  }
0x1: {  	v0 =	vlaneseq.u32  }
0x2: {  	v1 =	vimm.s32 $0x1380;
	vm0 =	vcmask $0x300;
	vm1 =	vcmask $0x704  }
0x3: {  	v2 =	vimm.s32 $0x3380;
	vm2 =	vcmask $0xB08;
	vm4 =	vcmask $0xF0C  }
0x4: {  	vm5 =	vcmask $0x1310;
	vm6 =	vcmask $0x1714;
	vm7 =	vcmask $0x1B18  }
0x5: {  	vm8 =	vcmask $0x1F1C;
	vm9 =	vcmask $0x2320;
	vm10 =	vcmask $0x2724  }
0x6: {  	vm11 =	vcmask $0x2B28;
	vm12 =	vcmask $0x2F2C;
	vm13 =	vcmask $0x3330  }
0x7: {  	vm14 =	vcmask $0x3734;
	v1 =	vsel vm0, $0x0, v1;
	v2 =	vsel vm0, $0x2000, v2  }
0x8: {  	v0 =	vmul.u32 $0x80, v0;
	v1 =	vsel vm1, $0x80, v1;
	v2 =	vsel vm1, $0x2080, v2  }
0x9: {  	vm15 =	vcmask $0x3B38;
	v1 =	vsel vm2, $0x100, v1;
	v2 =	vsel vm2, $0x2100, v2  }
0xa: {  	v5 =	vor.u32 $0x1800, v0;
	v6 =	vor.u32 $0x2000, v0;
	v1 =	vsel vm4, $0x180, v1  }
0xb: {  	v7 =	vor.u32 $0x2800, v0;
	v2 =	vsel vm4, $0x2180, v2;
	v1 =	vsel vm5, $0x200, v1  }
0xc: {  	s1 =	rddreg [dreg:$0x0];
	v8 =	vor.u32 $0x3000, v0;
	v2 =	vsel vm5, $0x2200, v2;
	v1 =	vsel vm6, $0x280, v1  }
0xd: {  	s0 =	rddreg [dreg:$0x1];
	v9 =	vor.u32 $0x3800, v0;
	v2 =	vsel vm6, $0x2280, v2;
	v1 =	vsel vm7, $0x300, v1  }
0xe: {  	s2 =	srdreg.scid;
	s3 =	rddreg [dreg:$0x2];
	v10 =	vor.u32 $0x4000, v0;
	v2 =	vsel vm7, $0x2300, v2;
	v1 =	vsel vm8, $0x380, v1  }
0xf: {  	s4 =	stileid.u32;
	s6 =	simm.s32 $0x0;
	s7 =	simm.s32 $0x400;
	v11 =	vor.u32 $0x4800, v0;
	v2 =	vsel vm8, $0x2380, v2;
	v1 =	vsel vm9, $0x1000, v1  }
0x10: {  	s8 =	simm.s32 $0x2;
	s9 =	simm.s32 $0x7A1400;
	s10 =	simm.s32 $0x200;
	v12 =	vor.u32 $0x5000, v0;
	v2 =	vsel vm9, $0x3000, v2;
	v1 =	vsel vm10, $0x1080, v1  }
0x11: {  	s18 =	simm.s32 $0x1;
	s19 =	simm.s32 $0x10200;
	s21 =	simm.s32 $0x20000;
	v13 =	vor.u32 $0x5800, v0;
	v2 =	vsel vm10, $0x3080, v2;
	v1 =	vsel vm11, $0x1100, v1  }
.Ltmp0:
0x12: {  	s22 =	simm.s32 $0x0;
	s2 =	sand.u32 $0x1, s2;
	v14 =	vor.u32 $0x6000, v0;
	v2 =	vsel vm11, $0x3100, v2;
	v1 =	vsel vm12, $0x1180, v1;
	(pc) =	sbr.rel .LBB2_1-.Ltmp0, $4  }
0x13: {  	s4 =	sshll.u32 s4, $0xA;
	s5 =	sshll.u32 s2, $0x9;
	s2 =	ssub.s32 $0x2, s2;
	v15 =	vor.u32 $0x6800, v0;
	v2 =	vsel vm12, $0x3180, v2;
	v1 =	vsel vm13, $0x1200, v1  }
0x14: {  	[smem:$0x7FF] =	sst s6;
	s5 =	sor.u32 s5, s4;
	s30 =	sshrl.u32 s2, $0x1;
	v16 =	vor.u32 $0x7000, v0;
	v4 =	vsel vm13, $0x3200, v2;
	v3 =	vsel vm14, $0x1280, v1  }
0x15: {  	_ =	strace $0x80000047;
	v17 =	vor.u32 $0x7800, v0;
	s31 =	sshrl.u32 s5, $0x3;
	s2 =	ssub.s32 s2, s30;
	v2 =	vsel vm15, $0x1300, v3;
	v3 =	vsel vm14, $0x3280, v4  }
0x16: {  	s5 =	sadd.s32 s3, s5;
	s4 =	sadd.s32 s1, s31;
	s6 =	smax.u32 s2, $0x1;
	v1 =	vor.u32 $0x800, v0;
	v4 =	vor.u32 $0x1000, v0;
	v3 =	vsel vm15, $0x3300, v3  }
.LBB2_5:
0x17: {  	s22 =	sadd.s32 $0x1, s22  }
0x18: {  	p0 =	sne.s32 s22, s6  }
.Ltmp1:
0x19: {  	s1 =	simm.s32 $0x1000;
	(pc) =	sbr.rel @!p0 .LBB2_6-.Ltmp1, $4  }
0x1a: {  	[hbm4b:s5+s1] =	stream.strided.scatter [tilespmem:s19], [sflag:$0x2], $0x4000, s21, s1, $0x38;
	[tilespmem:$0x14200] =	vst v63  }
0x1b: {  	_ =	swait.ge [sflag:s8], $0x4000  }
0x1c: {  	[sflag:s8] =	ssyncset.done $0x0  }
0x1d: {  	[sflag:s8] =	ssyncadd.s32 $0xFFFFC000  }
.LBB2_1:
0x1e: {  	s1 =	simm.s32 $0x0  }
0x1f: {  	[tilespmem:s1], [sflag:$0x2] =	stream.linear.gather [hbm4b:s4+s1], $0x200, $0x38;
	[tilespmem:$0x14200] =	vst v63  }
0x20: {  	_ =	swait.ge [sflag:s8], $0x200  }
0x21: {  	[sflag:s8] =	ssyncset.done $0x0  }
0x22: {  	[sflag:s8] =	ssyncadd.s32 $0xFFFFFE00  }
0x23: {  	v18 =	vld [tilespmem:$0x0];
	_ =	sdelay $0x4  }
0x24: {  	(v2sf) =	vpush v18, $0x2  }
0x25: {  	(v2sf) =	vpush v18, $0x3  }
0x26: {  	(v2sf) =	vpush v18, $0x4  }
0x27: {  	(v2sf) =	vpush v18, $0x5  }
0x28: {  	(v2sf) =	vpush v18, $0x6  }
0x29: {  	(v2sf) =	vpush v18, $0x7  }
0x2a: {  	(v2sf) =	vpush v18, $0x0;
	_ =	sdelay $0x1  }
0x2b: {  	(v2sf) =	vpush v18, $0x1;
	_ =	sdelay $0x6  }
0x2c: {  	s31 =	spop (v2sf)  }
0x2d: {  	s2 =	spop (v2sf)  }
0x2e: {  	s3 =	spop (v2sf)  }
0x2f: {  	s11 =	spop (v2sf)  }
0x30: {  	s12 =	spop (v2sf)  }
0x31: {  	s23 =	spop (v2sf)  }
0x32: {  	s24 =	spop (v2sf)  }
0x33: {  	s24 =	sand.u32 $0xFFFFF80, s24  }
0x34: {  	s14 =	spop (v2sf);
	s24 =	sadd.s32 s0, s24  }
0x35: {  	[tilespmem:s10], [sflag:$0x1] =	stream.strided.gather [hbm4b:s24+s7], $0x1000, s9, s7, $0x38;
	[tilespmem:$0x14200] =	vst v63  }
0x36: {  	s24 =	sand.u32 $0xFFFFF80, s14  }
0x37: {  	s13 =	simm.s32 $0x1200;
	s1 =	sand.u32 $0xFFFFF80, s31;
	s24 =	sadd.s32 s0, s24  }
0x38: {  	[tilespmem:s13], [sflag:$0x1] =	stream.strided.gather [hbm4b:s24+s7], $0x1000, s9, s7, $0x38;
	[tilespmem:$0x14200] =	vst v63  }
0x39: {  	s15 =	simm.s32 $0x2200;
	s1 =	sadd.s32 s0, s1;
	s16 =	sand.u32 $0xFFFFF80, s2  }
0x3a: {  	[tilespmem:s15], [sflag:$0x1] =	stream.strided.gather [hbm4b:s1+s7], $0x1000, s9, s7, $0x38;
	[tilespmem:$0x14200] =	vst v63  }
0x3b: {  	s17 =	simm.s32 $0x3200;
	s20 =	sand.u32 $0xFFFFF80, s3;
	s1 =	sadd.s32 s0, s16  }
0x3c: {  	[tilespmem:s17], [sflag:$0x1] =	stream.strided.gather [hbm4b:s1+s7], $0x1000, s9, s7, $0x38;
	[tilespmem:$0x14200] =	vst v63  }
0x3d: {  	s25 =	sand.u32 $0xFFFFF80, s11;
	s24 =	simm.s32 $0x4200;
	s1 =	sadd.s32 s0, s20  }
0x3e: {  	[tilespmem:s24], [sflag:$0x1] =	stream.strided.gather [hbm4b:s1+s7], $0x1000, s9, s7, $0x38;
	[tilespmem:$0x14200] =	vst v63  }
0x3f: {  	s26 =	simm.s32 $0x5200;
	s1 =	sadd.s32 s0, s25  }
0x40: {  	[tilespmem:s26], [sflag:$0x1] =	stream.strided.gather [hbm4b:s1+s7], $0x1000, s9, s7, $0x38;
	[tilespmem:$0x14200] =	vst v63  }
.Ltmp2:
0x41: {  	s29 =	simm.s32 $0x6200;
	s28 =	sand.u32 $0xFFFFF80, s12;
	(pc) =	sbr.rel .LBB2_2-.Ltmp2, $4  }
0x42: {  	s31 =	simm.s32 $0x7200;
	s30 =	sand.u32 $0xFFFFF80, s23;
	s1 =	sadd.s32 s0, s28  }
0x43: {  	[tilespmem:s29], [sflag:$0x1] =	stream.strided.gather [hbm4b:s1+s7], $0x1000, s9, s7, $0x38;
	[tilespmem:$0x14200] =	vst v63  }
0x44: {  	s23 =	simm.s32 $0x0;
	s24 =	simm.s32 $0x0;
	s1 =	sadd.s32 s0, s30  }
0x45: {  	[tilespmem:s31], [sflag:$0x1] =	stream.strided.gather [hbm4b:s1+s7], $0x1000, s9, s7, $0x38;
	[tilespmem:$0x14200] =	vst v63  }
.LBB2_4:
0x46: {  	s1 =	sand.u32 $0x1F0, s23  }
0x47: {  	v18 =	vld [tilespmem:s1+$0x0];
	_ =	sdelay $0x4  }
0x48: {  	(v2sf) =	vpush v18, $0x8  }
0x49: {  	(v2sf) =	vpush v18, $0x0  }
0x4a: {  	(v2sf) =	vpush v18, $0x9  }
0x4b: {  	(v2sf) =	vpush v18, $0x1  }
0x4c: {  	(v2sf) =	vpush v18, $0xA  }
0x4d: {  	(v2sf) =	vpush v18, $0x2  }
0x4e: {  	(v2sf) =	vpush v18, $0xB  }
0x4f: {  	(v2sf) =	vpush v18, $0x3  }
0x50: {  	(v2sf) =	vpush v18, $0xC  }
0x51: {  	(v2sf) =	vpush v18, $0x4  }
0x52: {  	(v2sf) =	vpush v18, $0xD  }
0x53: {  	(v2sf) =	vpush v18, $0x5  }
0x54: {  	(v2sf) =	vpush v18, $0xE  }
0x55: {  	(v2sf) =	vpush v18, $0x6  }
0x56: {  	(v2sf) =	vpush v18, $0xF  }
0x57: {  	s13 =	spop (v2sf);
	(v2sf) =	vpush v18, $0x7  }
0x58: {  	s14 =	spop (v2sf)  }
0x59: {  	s15 =	spop (v2sf)  }
0x5a: {  	s16 =	spop (v2sf)  }
0x5b: {  	s17 =	spop (v2sf)  }
0x5c: {  	s20 =	spop (v2sf)  }
0x5d: {  	s11 =	spop (v2sf)  }
0x5e: {  	s12 =	spop (v2sf)  }
0x5f: {  	s1 =	spop (v2sf)  }
0x60: {  	s3 =	spop (v2sf)  }
0x61: {  	p0 =	seq.s32 s25, $0x0;
	s31 =	spop (v2sf)  }
0x62: {  	s13 =	smov.u32 @p0 s14;
	s2 =	spop (v2sf)  }
0x63: {  	s25 =	sshll.u32 s25, $0xF;
	s13 =	sand.u32 $0x7F, s13;
	s29 =	spop (v2sf)  }
0x64: {  	s13 =	sor.u32 s25, s13;
	s30 =	spop (v2sf)  }
0x65: {  	v18 =	vor.u32 s13, v0;
	s26 =	spop (v2sf)  }
0x66: {  	v20 =	vmov s23;
	v19 =	vor.u32 s13, v1;
	s28 =	spop (v2sf)  }
0x67: {  	v21 =	vshll.u32 v20, $0x3;
	_ =	swait.ge [sflag:s18], $0x1000  }
0x68: {  	v20 =	vand.u32 $0x78, v20;
	v21 =	vand.u32 $0xC00, v21;
	[sflag:s18] =	ssyncset.done $0x0  }
0x69: {  	v20 =	vor.u32 v20, v21;
	[sflag:s18] =	ssyncadd.s32 $0xFFFFF000  }
0x6a: {  	v21 =	vor.u32 v2, v20;
	v18 =	vld.idx.msk [tilespmem:v18+s10+$0x0], $0xffff  }
0x6b: {  	v20 =	vor.u32 v3, v20;
	v19 =	vld.idx.msk [tilespmem:v19+s10+$0x0], $0xffff  }
0x6c: {  	s15 =	smov.u32 @p0 s16  }
0x6d: {  	s15 =	sand.u32 $0x7F, s15  }
0x6e: {  	s13 =	sor.u32 s25, s15  }
0x6f: {  	s16 =	sadd.s32 $0x1, s23;
	[tilespmem:v21+s19+$0x0] =	vst.idx.msk $0xffff, v18;
	v18 =	vor.u32 s13, v4  }
0x70: {  	v48 =	vmov s16;
	v22 =	vor.u32 s13, v5;
	[tilespmem:v20+s19+$0x0] =	vst.idx.msk $0xffff, v19  }
0x71: {  	v19 =	vshll.u32 v48, $0x3;
	_ =	swait.ge [sflag:s18], $0x1000  }
0x72: {  	v49 =	vand.u32 $0x79, v48;
	v19 =	vand.u32 $0xC00, v19;
	[sflag:s18] =	ssyncset.done $0x0  }
0x73: {  	v19 =	vor.u32 v49, v19;
	[sflag:s18] =	ssyncadd.s32 $0xFFFFF000  }
0x74: {  	v20 =	vor.u32 v2, v19;
	v18 =	vld.idx.msk [tilespmem:v18+s10+$0x0], $0xffff  }
0x75: {  	v19 =	vor.u32 v3, v19;
	v50 =	vld.idx.msk [tilespmem:v22+s10+$0x0], $0xffff  }
0x76: {  	s17 =	smov.u32 @p0 s20  }
0x77: {  	s17 =	sand.u32 $0x7F, s17  }
0x78: {  	s13 =	sor.u32 s25, s17  }
0x79: {  	s20 =	sadd.s32 $0x2, s23;
	[tilespmem:v20+s19+$0x0] =	vst.idx.msk $0xffff, v18;
	v18 =	vor.u32 s13, v6  }
0x7a: {  	v51 =	vmov s20;
	v52 =	vor.u32 s13, v7;
	[tilespmem:v19+s19+$0x0] =	vst.idx.msk $0xffff, v50  }
0x7b: {  	v19 =	vshll.u32 v51, $0x3;
	_ =	swait.ge [sflag:s18], $0x1000  }
0x7c: {  	v20 =	vand.u32 $0x7A, v51;
	v19 =	vand.u32 $0xC00, v19;
	[sflag:s18] =	ssyncset.done $0x0  }
0x7d: {  	v19 =	vor.u32 v20, v19;
	[sflag:s18] =	ssyncadd.s32 $0xFFFFF000  }
0x7e: {  	v20 =	vor.u32 v2, v19;
	v18 =	vld.idx.msk [tilespmem:v18+s10+$0x0], $0xffff  }
0x7f: {  	v19 =	vor.u32 v3, v19;
	v53 =	vld.idx.msk [tilespmem:v52+s10+$0x0], $0xffff  }
0x80: {  	s11 =	smov.u32 @p0 s12  }
0x81: {  	s11 =	sand.u32 $0x7F, s11  }
0x82: {  	s11 =	sor.u32 s25, s11  }
0x83: {  	s14 =	sadd.s32 $0x3, s23;
	[tilespmem:v20+s19+$0x0] =	vst.idx.msk $0xffff, v18;
	v18 =	vor.u32 s11, v8  }
0x84: {  	v54 =	vmov s14;
	[tilespmem:v19+s19+$0x0] =	vst.idx.msk $0xffff, v53;
	v19 =	vor.u32 s11, v9  }
0x85: {  	v55 =	vshll.u32 v54, $0x3;
	_ =	swait.ge [sflag:s18], $0x1000  }
0x86: {  	v21 =	vand.u32 $0xC00, v55;
	v20 =	vand.u32 $0x7B, v54;
	[sflag:s18] =	ssyncset.done $0x0  }
0x87: {  	v20 =	vor.u32 v20, v21;
	[sflag:s18] =	ssyncadd.s32 $0xFFFFF000  }
0x88: {  	v21 =	vor.u32 v2, v20;
	v18 =	vld.idx.msk [tilespmem:v18+s10+$0x0], $0xffff  }
0x89: {  	v20 =	vor.u32 v3, v20;
	v19 =	vld.idx.msk [tilespmem:v19+s10+$0x0], $0xffff  }
0x8a: {  	s1 =	smov.u32 @p0 s3  }
0x8b: {  	s1 =	sand.u32 $0x7F, s1  }
0x8c: {  	s1 =	sor.u32 s25, s1  }
0x8d: {  	s15 =	sadd.s32 $0x4, s23;
	[tilespmem:v21+s19+$0x0] =	vst.idx.msk $0xffff, v18;
	v18 =	vor.u32 s1, v10  }
0x8e: {  	v56 =	vor.u32 s1, v11;
	[tilespmem:v20+s19+$0x0] =	vst.idx.msk $0xffff, v19;
	v19 =	vmov s15  }
0x8f: {  	_ =	swait.ge [sflag:s18], $0x1000;
	v57 =	vshll.u32 v19, $0x3  }
0x90: {  	v19 =	vand.u32 $0x7C, v19;
	[sflag:s18] =	ssyncset.done $0x0;
	v21 =	vand.u32 $0xC00, v57  }
0x91: {  	[sflag:s18] =	ssyncadd.s32 $0xFFFFF000;
	v19 =	vor.u32 v19, v21  }
0x92: {  	v18 =	vld.idx.msk [tilespmem:v18+s10+$0x0], $0xffff;
	v21 =	vor.u32 v2, v19  }
0x93: {  	v20 =	vld.idx.msk [tilespmem:v56+s10+$0x0], $0xffff;
	v19 =	vor.u32 v3, v19  }
0x94: {  	s31 =	smov.u32 @p0 s2  }
0x95: {  	s16 =	sand.u32 $0x7F, s31  }
0x96: {  	s1 =	sor.u32 s25, s16  }
0x97: {  	s17 =	sadd.s32 $0x5, s23;
	[tilespmem:v21+s19+$0x0] =	vst.idx.msk $0xffff, v18;
	v18 =	vor.u32 s1, v12  }
0x98: {  	v58 =	vor.u32 s1, v13;
	[tilespmem:v19+s19+$0x0] =	vst.idx.msk $0xffff, v20;
	v19 =	vmov s17  }
0x99: {  	_ =	swait.ge [sflag:s18], $0x1000;
	v59 =	vshll.u32 v19, $0x3  }
0x9a: {  	v19 =	vand.u32 $0x7D, v19;
	[sflag:s18] =	ssyncset.done $0x0;
	v21 =	vand.u32 $0xC00, v59  }
0x9b: {  	[sflag:s18] =	ssyncadd.s32 $0xFFFFF000;
	v19 =	vor.u32 v19, v21  }
0x9c: {  	v18 =	vld.idx.msk [tilespmem:v18+s10+$0x0], $0xffff;
	v21 =	vor.u32 v2, v19  }
0x9d: {  	v20 =	vld.idx.msk [tilespmem:v58+s10+$0x0], $0xffff;
	v19 =	vor.u32 v3, v19  }
0x9e: {  	s29 =	smov.u32 @p0 s30  }
0x9f: {  	s20 =	sand.u32 $0x7F, s29  }
0xa0: {  	s1 =	sor.u32 s25, s20  }
0xa1: {  	s29 =	sadd.s32 $0x6, s23;
	[tilespmem:v21+s19+$0x0] =	vst.idx.msk $0xffff, v18;
	v18 =	vor.u32 s1, v14  }
0xa2: {  	v60 =	vor.u32 s1, v15;
	[tilespmem:v19+s19+$0x0] =	vst.idx.msk $0xffff, v20;
	v19 =	vmov s29  }
0xa3: {  	_ =	swait.ge [sflag:s18], $0x1000;
	v61 =	vshll.u32 v19, $0x3  }
0xa4: {  	v19 =	vand.u32 $0x7E, v19;
	[sflag:s18] =	ssyncset.done $0x0;
	v21 =	vand.u32 $0xC00, v61  }
0xa5: {  	[sflag:s18] =	ssyncadd.s32 $0xFFFFF000;
	v19 =	vor.u32 v19, v21  }
0xa6: {  	v18 =	vld.idx.msk [tilespmem:v18+s10+$0x0], $0xffff;
	v21 =	vor.u32 v2, v19  }
0xa7: {  	v20 =	vld.idx.msk [tilespmem:v60+s10+$0x0], $0xffff;
	v19 =	vor.u32 v3, v19  }
0xa8: {  	s26 =	smov.u32 @p0 s28  }
0xa9: {  	s30 =	sand.u32 $0x7F, s26  }
0xaa: {  	s1 =	sor.u32 s25, s30  }
0xab: {  	s31 =	sadd.s32 $0x7, s23;
	[tilespmem:v21+s19+$0x0] =	vst.idx.msk $0xffff, v18;
	v18 =	vor.u32 s1, v16  }
0xac: {  	v62 =	vor.u32 s1, v17;
	[tilespmem:v19+s19+$0x0] =	vst.idx.msk $0xffff, v20;
	v19 =	vmov s31  }
0xad: {  	_ =	swait.ge [sflag:s18], $0x1000;
	v63 =	vshll.u32 v19, $0x3  }
0xae: {  	v19 =	vand.u32 $0x7F, v19;
	[sflag:s18] =	ssyncset.done $0x0;
	v21 =	vand.u32 $0xC00, v63  }
0xaf: {  	[sflag:s18] =	ssyncadd.s32 $0xFFFFF000;
	v19 =	vor.u32 v19, v21  }
0xb0: {  	s23 =	sadd.s32 $0x8, s23;
	v18 =	vld.idx.msk [tilespmem:v18+s10+$0x0], $0xffff;
	v21 =	vor.u32 v2, v19  }
0xb1: {  	p0 =	sne.s32 s23, $0x200;
	v20 =	vld.idx.msk [tilespmem:v62+s10+$0x0], $0xffff;
	v19 =	vor.u32 v3, v19  }
.Ltmp3:
0xb2: {  	_ = 	snop;
	(pc) =	sbr.rel @!p0 .LBB2_5-.Ltmp3, $3  }
0xb3: {  	_ =	sdelay $0x1  }
0xb4: {  	[tilespmem:v21+s19+$0x0] =	vst.idx.msk $0xffff, v18  }
0xb5: {  	s24 =	sadd.s32 $0x1, s24;
	[tilespmem:v19+s19+$0x0] =	vst.idx.msk $0xffff, v20  }
.LBB2_2:
0xb6: {  	p0 =	seq.s32 s23, $0x1F8  }
.Ltmp4:
0xb7: {  	_ = 	snop;
	(pc) =	sbr.rel @p0 .LBB2_4-.Ltmp4, $2  }
0xb8: {  	_ =	sdelay $0x2  }
0xb9: {  	s25 =	sand.u32 $0x1, s24  }
0xba: {  	s1 =	sadd.s32 $0x8, s23  }
0xbb: {  	s1 =	sand.u32 $0x3F0, s1  }
0xbc: {  	v18 =	vld [tilespmem:s1+$0x0];
	_ =	sdelay $0x4  }
0xbd: {  	(v2sf) =	vpush v18, $0xA  }
0xbe: {  	(v2sf) =	vpush v18, $0x2  }
0xbf: {  	(v2sf) =	vpush v18, $0xB  }
0xc0: {  	(v2sf) =	vpush v18, $0x3  }
0xc1: {  	(v2sf) =	vpush v18, $0xC  }
0xc2: {  	(v2sf) =	vpush v18, $0x4  }
0xc3: {  	(v2sf) =	vpush v18, $0xD  }
0xc4: {  	(v2sf) =	vpush v18, $0x5  }
0xc5: {  	(v2sf) =	vpush v18, $0xE  }
0xc6: {  	(v2sf) =	vpush v18, $0x6  }
0xc7: {  	(v2sf) =	vpush v18, $0xF  }
0xc8: {  	(v2sf) =	vpush v18, $0x7  }
0xc9: {  	(v2sf) =	vpush v18, $0x8  }
0xca: {  	(v2sf) =	vpush v18, $0x0;
	_ =	sdelay $0x1  }
0xcb: {  	s1 =	spop (v2sf)  }
0xcc: {  	s2 =	spop (v2sf)  }
0xcd: {  	s3 =	spop (v2sf)  }
0xce: {  	(v2sf) =	vpush v18, $0x9;
	s11 =	spop (v2sf)  }
0xcf: {  	(v2sf) =	vpush v18, $0x1;
	s12 =	spop (v2sf)  }
0xd0: {  	s26 =	spop (v2sf)  }
0xd1: {  	s28 =	spop (v2sf)  }
0xd2: {  	s29 =	spop (v2sf)  }
0xd3: {  	s30 =	spop (v2sf)  }
0xd4: {  	s31 =	spop (v2sf)  }
0xd5: {  	s13 =	spop (v2sf)  }
0xd6: {  	s14 =	spop (v2sf)  }
0xd7: {  	s15 =	spop (v2sf)  }
0xd8: {  	p0 =	seq.s32 s25, $0x0;
	s16 =	spop (v2sf)  }
0xd9: {  	s16 =	smov.u32 @p0 s15  }
0xda: {  	s15 =	sshll.u32 s25, $0xF;
	s16 =	sand.u32 $0xFFFFF80, s16  }
0xdb: {  	s17 =	sxor.u32 $0x8200, s15;
	s16 =	sadd.s32 s0, s16  }
0xdc: {  	[tilespmem:s17], [sflag:$0x1] =	stream.strided.gather [hbm4b:s16+s7], $0x1000, s9, s7, $0x38;
	[tilespmem:$0x14200] =	vst v63  }
0xdd: {  	s16 =	spop (v2sf)  }
0xde: {  	s2 =	smov.u32 @p0 s1;
	s17 =	spop (v2sf)  }
0xdf: {  	s1 =	sand.u32 $0xFFFFF80, s2;
	s17 =	smov.u32 @p0 s16  }
0xe0: {  	s1 =	sadd.s32 s0, s1;
	s11 =	smov.u32 @p0 s3;
	s16 =	sand.u32 $0xFFFFF80, s17  }
0xe1: {  	s3 =	sand.u32 $0xFFFFF80, s11;
	s20 =	sxor.u32 $0x9200, s15;
	s16 =	sadd.s32 s0, s16  }
0xe2: {  	[tilespmem:s20], [sflag:$0x1] =	stream.strided.gather [hbm4b:s16+s7], $0x1000, s9, s7, $0x38;
	[tilespmem:$0x14200] =	vst v63  }
0xe3: {  	s26 =	smov.u32 @p0 s12;
	s29 =	smov.u32 @p0 s28;
	s20 =	sxor.u32 $0xA200, s15  }
0xe4: {  	[tilespmem:s20], [sflag:$0x1] =	stream.strided.gather [hbm4b:s1+s7], $0x1000, s9, s7, $0x38;
	[tilespmem:$0x14200] =	vst v63  }
0xe5: {  	s11 =	sxor.u32 $0xB200, s15;
	s16 =	sand.u32 $0xFFFFF80, s26;
	s1 =	sadd.s32 s0, s3  }
0xe6: {  	[tilespmem:s11], [sflag:$0x1] =	stream.strided.gather [hbm4b:s1+s7], $0x1000, s9, s7, $0x38;
	[tilespmem:$0x14200] =	vst v63  }
0xe7: {  	s17 =	sxor.u32 $0xC200, s15;
	s20 =	sand.u32 $0xFFFFF80, s29;
	s1 =	sadd.s32 s0, s16  }
0xe8: {  	[tilespmem:s17], [sflag:$0x1] =	stream.strided.gather [hbm4b:s1+s7], $0x1000, s9, s7, $0x38;
	[tilespmem:$0x14200] =	vst v63  }
0xe9: {  	s31 =	smov.u32 @p0 s30;
	s26 =	sxor.u32 $0xD200, s15;
	s1 =	sadd.s32 s0, s20  }
0xea: {  	[tilespmem:s26], [sflag:$0x1] =	stream.strided.gather [hbm4b:s1+s7], $0x1000, s9, s7, $0x38;
	[tilespmem:$0x14200] =	vst v63  }
.Ltmp5:
0xeb: {  	s28 =	sand.u32 $0xFFFFF80, s31;
	s14 =	smov.u32 @p0 s13;
	(pc) =	sbr.rel .LBB2_4-.Ltmp5, $4  }
0xec: {  	s30 =	sand.u32 $0xFFFFF80, s14;
	s29 =	sxor.u32 $0xE200, s15;
	s1 =	sadd.s32 s0, s28  }
0xed: {  	[tilespmem:s29], [sflag:$0x1] =	stream.strided.gather [hbm4b:s1+s7], $0x1000, s9, s7, $0x38;
	[tilespmem:$0x14200] =	vst v63  }
0xee: {  	s31 =	sxor.u32 $0xF200, s15;
	s1 =	sadd.s32 s0, s30  }
0xef: {  	[tilespmem:s31], [sflag:$0x1] =	stream.strided.gather [hbm4b:s1+s7], $0x1000, s9, s7, $0x38;
	[tilespmem:$0x14200] =	vst v63  }
.LBB2_6:
0xf0: {  	_ =	sfence.sel $0x180000  }
0xf1: {  	[bflag:$0x0] =	sbarrier.arrive $0xFFFF  }
0xf2: {  	_ =	strace $0x90000047  }
0xf3: {  	s0 =	stileid.u32;
	[bflag:$0x2] =	sbarrier.arrive $0xFFFF  }
0xf4: {  	p0 =	sne.s32 s0, $0x0;
	s0 =	rddreg [dreg:$0x3]  }
0xf5: {  	s0 =	sadd.s32 @!p0 $0x100000, s0  }
0xf6: {  	[sflag:s0] =	ssyncadd.tile.s32 @!p0 $0x1;
	_ =	shalt  }
.Lfunc_end2:
_tile_overlayer_lowered:
.L_overlay_start_2:
0xf7: {  	(tag) =	ssettag $0x2  }
0xf8: {  	s0 =	rddreg [dreg:$0x0];
	s2 =	stileid.u32  }
0xf9: {  	s1 =	rddreg [dreg:$0x1];
	p0 =	sne.s32 s2, $0x0  }
0xfa: {  	s3 =	rddreg [dreg:$0x2];
	[bflag:$0x3] =	sbarrier.arrive $0xFFFF;
	s2 =	simm.s32 @!p0 $0x1C02  }
0xfb: {  	[timem:s3], [sflag:s2] =	dma.local @!p0 [hbm:s0], s1  }
0xfc: {  	s0 =	simm.s32 @!p0 $0x2  }
0xfd: {  	_ =	swait.ge @!p0 [sflag:s0], s1  }
0xfe: {  	s1 =	ssub.s32 @!p0 $0x0, s1;
	[sflag:s0] =	ssyncset.done @!p0 $0x0  }
0xff: {  	[sflag:s0] =	ssyncadd.s32 @!p0 s1  }
0x100: {  	[bflag:$0x3] =	sbarrier.arrive $0xFFFF  }
0x101: {  	_ =	shalt  }

</sc_bundles>
